<compile_context>
chip_gen: v7x
topology: tpu7x:2x2x1
jax: 0.10.2.dev20260603
libtpu: 0.0.44.dev20260713+nightly
codegen_flags: <defaults>
</compile_context>

<pallas_src>
import functools

import jax
import jax.numpy as jnp
from jax import lax
from jax.experimental import pallas as pl
from jax.experimental.pallas import tpu as pltpu
from jax.experimental.pallas import tpu_sc as plsc

S = 8
R = 64
DIN = 2048
DOUT = 4096
T = 2048
L = 16
NC = 2
NS = 16
NW = NC * NS
TPW = T // NW
CH = TPW // L
GC = 8
NG = TPW // GC
BLK = 128
NBLK = T // BLK
IDR = 16
IDC = T // IDR


def _meta_body(sid_ref, dst_ref, off_ref):
    sid = sid_ref[...]
    rr = lax.broadcasted_iota(jnp.int32, (IDC, IDC), 0)
    cc = lax.broadcasted_iota(jnp.int32, (IDC, IDC), 1)
    U = jnp.where(rr <= cc, 1.0, 0.0)
    pr = lax.broadcasted_iota(jnp.int32, (IDR, IDR), 0)
    pc = lax.broadcasted_iota(jnp.int32, (IDR, IDR), 1)
    P = jnp.where(pc < pr, 1.0, 0.0)
    ones_col = jnp.ones((IDC, 1), jnp.float32)
    lane = lax.broadcasted_iota(jnp.int32, (1, L), 1)

    off_s = 0.0
    dst_f = jnp.zeros((IDR, IDC), jnp.float32)
    off_f = jnp.zeros((1, L), jnp.float32)
    for s in range(S):
        oh = jnp.where(sid == s, 1.0, 0.0)
        incl = jnp.dot(oh, U, preferred_element_type=jnp.float32)
        below = jnp.dot(P, oh, preferred_element_type=jnp.float32)
        row_pref = jnp.dot(below, ones_col, preferred_element_type=jnp.float32)
        rank = incl - oh + row_pref
        off_f = jnp.where(lane == s, off_s, off_f)
        dst_f = dst_f + oh * (off_s + rank)
        off_s = off_s + jnp.sum(oh)
    off_f = jnp.where(lane >= S, off_s, off_f)
    dst_ref[...] = dst_f.astype(jnp.int32)
    off_ref[...] = off_f.astype(jnp.int32)


def _tc_meta(sid2):
    return pl.pallas_call(
        _meta_body,
        out_shape=[
            jax.ShapeDtypeStruct((IDR, IDC), jnp.int32),
            jax.ShapeDtypeStruct((1, L), jnp.int32),
        ],
    )(sid2)


@functools.partial(
    pl.kernel,
    mesh=plsc.VectorSubcoreMesh(core_axis_name="c", subcore_axis_name="s"),
    out_type=jax.ShapeDtypeStruct((T, DIN), jnp.float32),
    scratch_types=[
        pltpu.VMEM((TPW,), jnp.int32),
        pltpu.VMEM((L, DIN), jnp.float32),
        pltpu.VMEM((L, DIN), jnp.float32),
        pltpu.SemaphoreType.DMA,
        pltpu.SemaphoreType.DMA,
    ],
)
def _sc_scatter_x(dst_hbm, x_hbm, xs_hbm, dst_v, buf0, buf1, sem0, sem1):
    wid = lax.axis_index("s") * NC + lax.axis_index("c")
    base = wid * TPW
    pltpu.sync_copy(dst_hbm.at[pl.ds(base, TPW)], dst_v)
    bufs = (buf0, buf1)
    sems = (sem0, sem1)
    hs = [None, None]
    for c in range(CH):
        b = c & 1
        if hs[b] is not None:
            hs[b].wait()
        pltpu.sync_copy(x_hbm.at[pl.ds(base + c * L, L)], bufs[b])
        idx = dst_v[pl.ds(c * L, L)]
        hs[b] = pltpu.async_copy(bufs[b], xs_hbm.at[idx], sems[b])
    hs[0].wait()
    hs[1].wait()


def _tc_fused_body(off_ref, x_ref, a_ref, b_ref, o_ref):
    blk = pl.program_id(0) * BLK
    rows = blk + lax.broadcasted_iota(jnp.int32, (BLK, 1), 0)
    dn = (((1,), (1,)), ((), ()))

    o_ref[...] = jnp.zeros((BLK, DOUT), jnp.float32)
    for s in range(S):
        lo = off_ref[0, s]
        hi = off_ref[0, s + 1] if s + 1 < S else T

        @pl.when(jnp.logical_and(hi > blk, lo < blk + BLK))
        def _(s=s, lo=lo, hi=hi):
            mask = jnp.logical_and(rows >= lo, rows < hi)
            p = lax.dot_general(x_ref[...], a_ref[s], dn,
                                preferred_element_type=jnp.float32)
            ob = lax.dot_general(p, b_ref[s], dn,
                                 preferred_element_type=jnp.float32)
            o_ref[...] += jnp.where(mask, ob, 0.0)


def _tc_fused(off2, xs, A, B):
    return pl.pallas_call(
        _tc_fused_body,
        grid=(NBLK,),
        in_specs=[
            pl.BlockSpec(memory_space=pltpu.SMEM),
            pl.BlockSpec((BLK, DIN), lambda i: (i, 0)),
            pl.BlockSpec((S, R, DIN), lambda i: (0, 0, 0)),
            pl.BlockSpec((S, DOUT, R), lambda i: (0, 0, 0)),
        ],
        out_specs=pl.BlockSpec((BLK, DOUT), lambda i: (i, 0)),
        out_shape=jax.ShapeDtypeStruct((T, DOUT), jnp.float32),
    )(off2, xs, A, B)


@functools.partial(
    pl.kernel,
    mesh=plsc.VectorSubcoreMesh(core_axis_name="c", subcore_axis_name="s"),
    out_type=jax.ShapeDtypeStruct((T, DOUT), jnp.float32),
    scratch_types=[
        pltpu.VMEM((TPW,), jnp.int32),
        pltpu.VMEM((GC, DOUT), jnp.float32),
        pltpu.VMEM((GC, DOUT), jnp.float32),
        pltpu.SemaphoreType.DMA,
        pltpu.SemaphoreType.DMA,
    ],
)
def _sc_unpermute(dst_hbm, os_hbm, out_hbm, dst_v, buf0, buf1, sem0, sem1):
    wid = lax.axis_index("s") * NC + lax.axis_index("c")
    base = wid * TPW
    pltpu.sync_copy(dst_hbm.at[pl.ds(base, TPW)], dst_v)
    bufs = (buf0, buf1)
    sems = (sem0, sem1)
    hs = [None, None]
    for c in range(NG):
        b = c & 1
        if hs[b] is not None:
            hs[b].wait()
            pltpu.sync_copy(bufs[b], out_hbm.at[pl.ds(base + (c - 2) * GC, GC)])
        hs[b] = pltpu.async_copy(
            os_hbm.at[dst_v.at[pl.ds(c * GC, GC)]], bufs[b], sems[b])
    for c in (NG - 2, NG - 1):
        b = c & 1
        hs[b].wait()
        pltpu.sync_copy(bufs[b], out_hbm.at[pl.ds(base + c * GC, GC)])


def kernel(x, slot_ids, layer_idx, A, B):
    del layer_idx
    sid2 = slot_ids.astype(jnp.int32).reshape(IDR, IDC)
    dst2, off2 = _tc_meta(sid2)
    dst = dst2.reshape(T)
    xs = _sc_scatter_x(dst, x)
    out_sorted = _tc_fused(off2, xs, A, B)
    return _sc_unpermute(dst, out_sorted)

# --- scband reference (transcript-rebuilt; emitter-appended) ---
"""Pipeline reference for scband-lora-layer-58050777973155 (READ-ONLY COPY).

The authoritative reference and input builder live on the scoring server;
editing this copy changes nothing except your own understanding.
"""

import jax, jax.numpy as jnp
import numpy as np

NUM_SLOTS = 8
MAX_RANK = 64
D_IN = 2048
D_OUT = 4096
NUM_TOKENS = 2048


def setup_inputs(seed: int = 0) -> dict:
    key = jax.random.key(seed)
    k1, k2, k3, k4 = jax.random.split(key, 4)
    x = jax.random.normal(k1, (NUM_TOKENS, D_IN), dtype=jnp.float32)
    slot_ids = jax.random.randint(k2, (NUM_TOKENS,), 0, NUM_SLOTS, dtype=jnp.int64)
    # learned LoRA adapter weights, one (A, B) pair per adapter slot
    # A: [S, rank, d_in]  (lora_in / down-projection)
    # B: [S, d_out, rank] (lora_out / up-projection)
    A = jax.random.normal(k3, (NUM_SLOTS, MAX_RANK, D_IN), dtype=jnp.float32) * (1.0 / np.sqrt(D_IN))
    B = jax.random.normal(k4, (NUM_SLOTS, D_OUT, MAX_RANK), dtype=jnp.float32) * (1.0 / np.sqrt(MAX_RANK))
    return {"x": x, "slot_ids": slot_ids, "layer_idx": 0, "A": A, "B": B}


def reference(x, slot_ids, layer_idx, A, B):
    # Faithful grouped-gemm LoRA forward (TRT-LLM LoraLayer semantics):
    # 1) GATHER: sort token ids by adapter slot -> reordered_input
    # 2) GROUPED_GEMM stage 1: per-slot  inter = x_slot @ A[s]^T   [tokens_s, rank]
    # 3) GROUPED_GEMM stage 2: per-slot  out   = inter @ B[s]^T    [tokens_s, d_out]
    # 4) SCATTER: write results back to original token order
    del layer_idx
    S = A.shape[0]
    r = A.shape[1]
    d_out = B.shape[1]
    T = x.shape[0]
    sorted_ids = jnp.argsort(slot_ids)
    x_sorted = jnp.take(x, sorted_ids, axis=0)
    slot_sorted = jnp.take(slot_ids, sorted_ids, axis=0)
    onehot = jax.nn.one_hot(slot_sorted, S, dtype=x.dtype)  # [T, S]
    # stage 1: intermediate buffer (rank-dim)
    inter = jnp.zeros((T, r), dtype=x.dtype)
    for s in range(S):
        inter = inter + onehot[:, s:s + 1] * (x_sorted @ A[s].T)
    # stage 2: output buffer (d_out)
    out_sorted = jnp.zeros((T, d_out), dtype=x.dtype)
    for s in range(S):
        out_sorted = out_sorted + onehot[:, s:s + 1] * (inter @ B[s].T)
    # scatter back to original order
    out = jnp.zeros((T, d_out), dtype=x.dtype).at[sorted_ids].set(out_sorted)
    return out


if False:  # reference __main__ guard neutralized (emitter)
    inp = setup_inputs()
    o = reference(**inp)
    print(o.shape, o.dtype)

if __name__ == "__main__":
    import jax
    _d = setup_inputs()
    print(jax.jit(kernel)(*tuple(_d.values())))

</pallas_src>

<mosaic_0001>
#map = affine_map<(d0, d1) -> (0)>
#map1 = affine_map<(d0, d1) -> (0, 0)>
module attributes {stable_mosaic.version = 14 : i64} {
  func.func @_sc_unpermute(%arg0: i32, %arg1: i32, %arg2: memref<2048xi32, #tpu.memory_space<hbm>>, %arg3: memref<2048x4096xf32, #tpu.memory_space<hbm>>, %arg4: memref<2048x4096xf32, #tpu.memory_space<hbm>>, %arg5: memref<64xi32, #tpu.memory_space<vmem>>, %arg6: memref<8x4096xf32, #tpu.memory_space<vmem>>, %arg7: memref<8x4096xf32, #tpu.memory_space<vmem>>, %arg8: memref<!tpu.dma_semaphore, #tpu.memory_space<semaphore_mem>>, %arg9: memref<!tpu.dma_semaphore, #tpu.memory_space<semaphore_mem>>) attributes {dimension_semantics = [#tpu.dimension_semantics<core_parallel>, #tpu.dimension_semantics<subcore_parallel>], iteration_bounds = array<i64: 2, 16>, scalar_prefetch = 0 : i64, scratch_operands = 5 : i64, tpu.core_type = #tpu.core_type<sc_vector_subcore>, window_params = [{transform_indices = #map}, {transform_indices = #map1}, {transform_indices = #map1}]} {
    %mul3A = arith.constant 2 : i32
    %mul3A_0 = arith.muli %arg1, %mul3A : i32
    %add3A = arith.addi %mul3A_0, %arg0 : i32
    %mul3A_1 = arith.constant 64 : i32
    %mul3A_2 = arith.muli %add3A, %mul3A_1 : i32
    "tpu.region"() ({
      %run_scoped3A = tpu.sem_alloc : memref<!tpu.dma_semaphore, #tpu.memory_space<semaphore_mem>>
      %dma_start3A_97 = tpu.memref_slice %arg2[%mul3A_2] : memref<2048xi32, #tpu.memory_space<hbm>> -> memref<64xi32, #tpu.memory_space<hbm>>
      %dma_start3A_98 = tpu.memref_slice %arg2[%mul3A_2] : memref<2048xi32, #tpu.memory_space<hbm>> -> memref<64xi32, #tpu.memory_space<hbm>>
      tpu.enqueue_dma source(%dma_start3A_98 : memref<64xi32, #tpu.memory_space<hbm>>) target(%arg5 : memref<64xi32, #tpu.memory_space<vmem>>) target_semaphore(%run_scoped3A : memref<!tpu.dma_semaphore, #tpu.memory_space<semaphore_mem>>)
      %dma_wait3A_99 = tpu.memref_slice %arg2[%mul3A_2] : memref<2048xi32, #tpu.memory_space<hbm>> -> memref<64xi32, #tpu.memory_space<hbm>>
      %dma_wait3A_100 = tpu.memref_slice %arg2[%mul3A_2] : memref<2048xi32, #tpu.memory_space<hbm>> -> memref<64xi32, #tpu.memory_space<hbm>>
      tpu.wait_dma2 semaphore(%run_scoped3A : memref<!tpu.dma_semaphore, #tpu.memory_space<semaphore_mem>>) src(%dma_wait3A_100 : memref<64xi32, #tpu.memory_space<hbm>>) dst(%arg5 : memref<64xi32, #tpu.memory_space<vmem>>)
      tpu.yield
    }) : () -> ()
    %dma_start3A = arith.constant 0 : i32
    %dma_start3A_3 = tpu.memref_slice %arg5[%dma_start3A] : memref<64xi32, #tpu.memory_space<vmem>> -> memref<8xi32, #tpu.memory_space<vmem>>
    %dma_start3A_4 = arith.constant 0 : i32
    %dma_start3A_5 = arith.constant 0 : i32
    %dma_start3A_6 = tpu.memref_slice %arg3[%dma_start3A_4, %dma_start3A_5] : memref<2048x4096xf32, #tpu.memory_space<hbm>> -> memref<2048x4096xf32, #tpu.memory_space<hbm>>
    tpu.enqueue_indirect_dma source(%dma_start3A_6 : memref<2048x4096xf32, #tpu.memory_space<hbm>>) target(%arg6 : memref<8x4096xf32, #tpu.memory_space<vmem>>) offsets(%dma_start3A_3 : memref<8xi32, #tpu.memory_space<vmem>>) semaphore(%arg8 : memref<!tpu.dma_semaphore, #tpu.memory_space<semaphore_mem>>)
    %dma_start3A_7 = arith.constant 8 : i32
    %dma_start3A_8 = tpu.memref_slice %arg5[%dma_start3A_7] : memref<64xi32, #tpu.memory_space<vmem>> -> memref<8xi32, #tpu.memory_space<vmem>>
    %dma_start3A_9 = arith.constant 0 : i32
    %dma_start3A_10 = arith.constant 0 : i32
    %dma_start3A_11 = tpu.memref_slice %arg3[%dma_start3A_9, %dma_start3A_10] : memref<2048x4096xf32, #tpu.memory_space<hbm>> -> memref<2048x4096xf32, #tpu.memory_space<hbm>>
    tpu.enqueue_indirect_dma source(%dma_start3A_11 : memref<2048x4096xf32, #tpu.memory_space<hbm>>) target(%arg7 : memref<8x4096xf32, #tpu.memory_space<vmem>>) offsets(%dma_start3A_8 : memref<8xi32, #tpu.memory_space<vmem>>) semaphore(%arg9 : memref<!tpu.dma_semaphore, #tpu.memory_space<semaphore_mem>>)
    %dma_wait3A = arith.constant 0 : i32
    %dma_wait3A_12 = tpu.memref_slice %arg5[%dma_wait3A] : memref<64xi32, #tpu.memory_space<vmem>> -> memref<8xi32, #tpu.memory_space<vmem>>
    %dma_wait3A_13 = arith.constant 0 : i32
    %dma_wait3A_14 = arith.constant 0 : i32
    %dma_wait3A_15 = tpu.memref_slice %arg3[%dma_wait3A_13, %dma_wait3A_14] : memref<2048x4096xf32, #tpu.memory_space<hbm>> -> memref<2048x4096xf32, #tpu.memory_space<hbm>>
    tpu.wait_indirect_dma semaphore(%arg8 : memref<!tpu.dma_semaphore, #tpu.memory_space<semaphore_mem>>) src(%dma_wait3A_15 : memref<2048x4096xf32, #tpu.memory_space<hbm>>) dst(%arg6 : memref<8x4096xf32, #tpu.memory_space<vmem>>)
    %add3A_16 = arith.constant 0 : i32
    %add3A_17 = arith.addi %mul3A_2, %add3A_16 : i32
    "tpu.region"() ({
      %run_scoped3A = tpu.sem_alloc : memref<!tpu.dma_semaphore, #tpu.memory_space<semaphore_mem>>
      %dma_start3A_97 = arith.constant 0 : i32
      %dma_start3A_98 = tpu.memref_slice %arg4[%add3A_17, %dma_start3A_97] : memref<2048x4096xf32, #tpu.memory_space<hbm>> -> memref<8x4096xf32, #tpu.memory_space<hbm>>
      %dma_start3A_99 = arith.constant 0 : i32
      %dma_start3A_100 = tpu.memref_slice %arg4[%add3A_17, %dma_start3A_99] : memref<2048x4096xf32, #tpu.memory_space<hbm>> -> memref<8x4096xf32, #tpu.memory_space<hbm>>
      tpu.enqueue_dma source(%arg6 : memref<8x4096xf32, #tpu.memory_space<vmem>>) target(%dma_start3A_100 : memref<8x4096xf32, #tpu.memory_space<hbm>>) target_semaphore(%run_scoped3A : memref<!tpu.dma_semaphore, #tpu.memory_space<semaphore_mem>>)
      %dma_wait3A_101 = arith.constant 0 : i32
      %dma_wait3A_102 = tpu.memref_slice %arg4[%add3A_17, %dma_wait3A_101] : memref<2048x4096xf32, #tpu.memory_space<hbm>> -> memref<8x4096xf32, #tpu.memory_space<hbm>>
      %dma_wait3A_103 = arith.constant 0 : i32
      %dma_wait3A_104 = tpu.memref_slice %arg4[%add3A_17, %dma_wait3A_103] : memref<2048x4096xf32, #tpu.memory_space<hbm>> -> memref<8x4096xf32, #tpu.memory_space<hbm>>
      tpu.wait_dma2 semaphore(%run_scoped3A : memref<!tpu.dma_semaphore, #tpu.memory_space<semaphore_mem>>) src(%arg6 : memref<8x4096xf32, #tpu.memory_space<vmem>>) dst(%dma_wait3A_104 : memref<8x4096xf32, #tpu.memory_space<hbm>>)
      tpu.yield
    }) : () -> ()
    %dma_start3A_18 = arith.constant 16 : i32
    %dma_start3A_19 = tpu.memref_slice %arg5[%dma_start3A_18] : memref<64xi32, #tpu.memory_space<vmem>> -> memref<8xi32, #tpu.memory_space<vmem>>
    %dma_start3A_20 = arith.constant 0 : i32
    %dma_start3A_21 = arith.constant 0 : i32
    %dma_start3A_22 = tpu.memref_slice %arg3[%dma_start3A_20, %dma_start3A_21] : memref<2048x4096xf32, #tpu.memory_space<hbm>> -> memref<2048x4096xf32, #tpu.memory_space<hbm>>
    tpu.enqueue_indirect_dma source(%dma_start3A_22 : memref<2048x4096xf32, #tpu.memory_space<hbm>>) target(%arg6 : memref<8x4096xf32, #tpu.memory_space<vmem>>) offsets(%dma_start3A_19 : memref<8xi32, #tpu.memory_space<vmem>>) semaphore(%arg8 : memref<!tpu.dma_semaphore, #tpu.memory_space<semaphore_mem>>)
    %dma_wait3A_23 = arith.constant 8 : i32
    %dma_wait3A_24 = tpu.memref_slice %arg5[%dma_wait3A_23] : memref<64xi32, #tpu.memory_space<vmem>> -> memref<8xi32, #tpu.memory_space<vmem>>
    %dma_wait3A_25 = arith.constant 0 : i32
    %dma_wait3A_26 = arith.constant 0 : i32
    %dma_wait3A_27 = tpu.memref_slice %arg3[%dma_wait3A_25, %dma_wait3A_26] : memref<2048x4096xf32, #tpu.memory_space<hbm>> -> memref<2048x4096xf32, #tpu.memory_space<hbm>>
    tpu.wait_indirect_dma semaphore(%arg9 : memref<!tpu.dma_semaphore, #tpu.memory_space<semaphore_mem>>) src(%dma_wait3A_27 : memref<2048x4096xf32, #tpu.memory_space<hbm>>) dst(%arg7 : memref<8x4096xf32, #tpu.memory_space<vmem>>)
    %add3A_28 = arith.constant 8 : i32
    %add3A_29 = arith.addi %mul3A_2, %add3A_28 : i32
    "tpu.region"() ({
      %run_scoped3A = tpu.sem_alloc : memref<!tpu.dma_semaphore, #tpu.memory_space<semaphore_mem>>
      %dma_start3A_97 = arith.constant 0 : i32
      %dma_start3A_98 = tpu.memref_slice %arg4[%add3A_29, %dma_start3A_97] : memref<2048x4096xf32, #tpu.memory_space<hbm>> -> memref<8x4096xf32, #tpu.memory_space<hbm>>
      %dma_start3A_99 = arith.constant 0 : i32
      %dma_start3A_100 = tpu.memref_slice %arg4[%add3A_29, %dma_start3A_99] : memref<2048x4096xf32, #tpu.memory_space<hbm>> -> memref<8x4096xf32, #tpu.memory_space<hbm>>
      tpu.enqueue_dma source(%arg7 : memref<8x4096xf32, #tpu.memory_space<vmem>>) target(%dma_start3A_100 : memref<8x4096xf32, #tpu.memory_space<hbm>>) target_semaphore(%run_scoped3A : memref<!tpu.dma_semaphore, #tpu.memory_space<semaphore_mem>>)
      %dma_wait3A_101 = arith.constant 0 : i32
      %dma_wait3A_102 = tpu.memref_slice %arg4[%add3A_29, %dma_wait3A_101] : memref<2048x4096xf32, #tpu.memory_space<hbm>> -> memref<8x4096xf32, #tpu.memory_space<hbm>>
      %dma_wait3A_103 = arith.constant 0 : i32
      %dma_wait3A_104 = tpu.memref_slice %arg4[%add3A_29, %dma_wait3A_103] : memref<2048x4096xf32, #tpu.memory_space<hbm>> -> memref<8x4096xf32, #tpu.memory_space<hbm>>
      tpu.wait_dma2 semaphore(%run_scoped3A : memref<!tpu.dma_semaphore, #tpu.memory_space<semaphore_mem>>) src(%arg7 : memref<8x4096xf32, #tpu.memory_space<vmem>>) dst(%dma_wait3A_104 : memref<8x4096xf32, #tpu.memory_space<hbm>>)
      tpu.yield
    }) : () -> ()
    %dma_start3A_30 = arith.constant 24 : i32
    %dma_start3A_31 = tpu.memref_slice %arg5[%dma_start3A_30] : memref<64xi32, #tpu.memory_space<vmem>> -> memref<8xi32, #tpu.memory_space<vmem>>
    %dma_start3A_32 = arith.constant 0 : i32
    %dma_start3A_33 = arith.constant 0 : i32
    %dma_start3A_34 = tpu.memref_slice %arg3[%dma_start3A_32, %dma_start3A_33] : memref<2048x4096xf32, #tpu.memory_space<hbm>> -> memref<2048x4096xf32, #tpu.memory_space<hbm>>
    tpu.enqueue_indirect_dma source(%dma_start3A_34 : memref<2048x4096xf32, #tpu.memory_space<hbm>>) target(%arg7 : memref<8x4096xf32, #tpu.memory_space<vmem>>) offsets(%dma_start3A_31 : memref<8xi32, #tpu.memory_space<vmem>>) semaphore(%arg9 : memref<!tpu.dma_semaphore, #tpu.memory_space<semaphore_mem>>)
    %dma_wait3A_35 = arith.constant 16 : i32
    %dma_wait3A_36 = tpu.memref_slice %arg5[%dma_wait3A_35] : memref<64xi32, #tpu.memory_space<vmem>> -> memref<8xi32, #tpu.memory_space<vmem>>
    %dma_wait3A_37 = arith.constant 0 : i32
    %dma_wait3A_38 = arith.constant 0 : i32
    %dma_wait3A_39 = tpu.memref_slice %arg3[%dma_wait3A_37, %dma_wait3A_38] : memref<2048x4096xf32, #tpu.memory_space<hbm>> -> memref<2048x4096xf32, #tpu.memory_space<hbm>>
    tpu.wait_indirect_dma semaphore(%arg8 : memref<!tpu.dma_semaphore, #tpu.memory_space<semaphore_mem>>) src(%dma_wait3A_39 : memref<2048x4096xf32, #tpu.memory_space<hbm>>) dst(%arg6 : memref<8x4096xf32, #tpu.memory_space<vmem>>)
    %add3A_40 = arith.constant 16 : i32
    %add3A_41 = arith.addi %mul3A_2, %add3A_40 : i32
    "tpu.region"() ({
      %run_scoped3A = tpu.sem_alloc : memref<!tpu.dma_semaphore, #tpu.memory_space<semaphore_mem>>
      %dma_start3A_97 = arith.constant 0 : i32
      %dma_start3A_98 = tpu.memref_slice %arg4[%add3A_41, %dma_start3A_97] : memref<2048x4096xf32, #tpu.memory_space<hbm>> -> memref<8x4096xf32, #tpu.memory_space<hbm>>
      %dma_start3A_99 = arith.constant 0 : i32
      %dma_start3A_100 = tpu.memref_slice %arg4[%add3A_41, %dma_start3A_99] : memref<2048x4096xf32, #tpu.memory_space<hbm>> -> memref<8x4096xf32, #tpu.memory_space<hbm>>
      tpu.enqueue_dma source(%arg6 : memref<8x4096xf32, #tpu.memory_space<vmem>>) target(%dma_start3A_100 : memref<8x4096xf32, #tpu.memory_space<hbm>>) target_semaphore(%run_scoped3A : memref<!tpu.dma_semaphore, #tpu.memory_space<semaphore_mem>>)
      %dma_wait3A_101 = arith.constant 0 : i32
      %dma_wait3A_102 = tpu.memref_slice %arg4[%add3A_41, %dma_wait3A_101] : memref<2048x4096xf32, #tpu.memory_space<hbm>> -> memref<8x4096xf32, #tpu.memory_space<hbm>>
      %dma_wait3A_103 = arith.constant 0 : i32
      %dma_wait3A_104 = tpu.memref_slice %arg4[%add3A_41, %dma_wait3A_103] : memref<2048x4096xf32, #tpu.memory_space<hbm>> -> memref<8x4096xf32, #tpu.memory_space<hbm>>
      tpu.wait_dma2 semaphore(%run_scoped3A : memref<!tpu.dma_semaphore, #tpu.memory_space<semaphore_mem>>) src(%arg6 : memref<8x4096xf32, #tpu.memory_space<vmem>>) dst(%dma_wait3A_104 : memref<8x4096xf32, #tpu.memory_space<hbm>>)
      tpu.yield
    }) : () -> ()
    %dma_start3A_42 = arith.constant 32 : i32
    %dma_start3A_43 = tpu.memref_slice %arg5[%dma_start3A_42] : memref<64xi32, #tpu.memory_space<vmem>> -> memref<8xi32, #tpu.memory_space<vmem>>
    %dma_start3A_44 = arith.constant 0 : i32
    %dma_start3A_45 = arith.constant 0 : i32
    %dma_start3A_46 = tpu.memref_slice %arg3[%dma_start3A_44, %dma_start3A_45] : memref<2048x4096xf32, #tpu.memory_space<hbm>> -> memref<2048x4096xf32, #tpu.memory_space<hbm>>
    tpu.enqueue_indirect_dma source(%dma_start3A_46 : memref<2048x4096xf32, #tpu.memory_space<hbm>>) target(%arg6 : memref<8x4096xf32, #tpu.memory_space<vmem>>) offsets(%dma_start3A_43 : memref<8xi32, #tpu.memory_space<vmem>>) semaphore(%arg8 : memref<!tpu.dma_semaphore, #tpu.memory_space<semaphore_mem>>)
    %dma_wait3A_47 = arith.constant 24 : i32
    %dma_wait3A_48 = tpu.memref_slice %arg5[%dma_wait3A_47] : memref<64xi32, #tpu.memory_space<vmem>> -> memref<8xi32, #tpu.memory_space<vmem>>
    %dma_wait3A_49 = arith.constant 0 : i32
    %dma_wait3A_50 = arith.constant 0 : i32
    %dma_wait3A_51 = tpu.memref_slice %arg3[%dma_wait3A_49, %dma_wait3A_50] : memref<2048x4096xf32, #tpu.memory_space<hbm>> -> memref<2048x4096xf32, #tpu.memory_space<hbm>>
    tpu.wait_indirect_dma semaphore(%arg9 : memref<!tpu.dma_semaphore, #tpu.memory_space<semaphore_mem>>) src(%dma_wait3A_51 : memref<2048x4096xf32, #tpu.memory_space<hbm>>) dst(%arg7 : memref<8x4096xf32, #tpu.memory_space<vmem>>)
    %add3A_52 = arith.constant 24 : i32
    %add3A_53 = arith.addi %mul3A_2, %add3A_52 : i32
    "tpu.region"() ({
      %run_scoped3A = tpu.sem_alloc : memref<!tpu.dma_semaphore, #tpu.memory_space<semaphore_mem>>
      %dma_start3A_97 = arith.constant 0 : i32
      %dma_start3A_98 = tpu.memref_slice %arg4[%add3A_53, %dma_start3A_97] : memref<2048x4096xf32, #tpu.memory_space<hbm>> -> memref<8x4096xf32, #tpu.memory_space<hbm>>
      %dma_start3A_99 = arith.constant 0 : i32
      %dma_start3A_100 = tpu.memref_slice %arg4[%add3A_53, %dma_start3A_99] : memref<2048x4096xf32, #tpu.memory_space<hbm>> -> memref<8x4096xf32, #tpu.memory_space<hbm>>
      tpu.enqueue_dma source(%arg7 : memref<8x4096xf32, #tpu.memory_space<vmem>>) target(%dma_start3A_100 : memref<8x4096xf32, #tpu.memory_space<hbm>>) target_semaphore(%run_scoped3A : memref<!tpu.dma_semaphore, #tpu.memory_space<semaphore_mem>>)
      %dma_wait3A_101 = arith.constant 0 : i32
      %dma_wait3A_102 = tpu.memref_slice %arg4[%add3A_53, %dma_wait3A_101] : memref<2048x4096xf32, #tpu.memory_space<hbm>> -> memref<8x4096xf32, #tpu.memory_space<hbm>>
      %dma_wait3A_103 = arith.constant 0 : i32
      %dma_wait3A_104 = tpu.memref_slice %arg4[%add3A_53, %dma_wait3A_103] : memref<2048x4096xf32, #tpu.memory_space<hbm>> -> memref<8x4096xf32, #tpu.memory_space<hbm>>
      tpu.wait_dma2 semaphore(%run_scoped3A : memref<!tpu.dma_semaphore, #tpu.memory_space<semaphore_mem>>) src(%arg7 : memref<8x4096xf32, #tpu.memory_space<vmem>>) dst(%dma_wait3A_104 : memref<8x4096xf32, #tpu.memory_space<hbm>>)
      tpu.yield
    }) : () -> ()
    %dma_start3A_54 = arith.constant 40 : i32
    %dma_start3A_55 = tpu.memref_slice %arg5[%dma_start3A_54] : memref<64xi32, #tpu.memory_space<vmem>> -> memref<8xi32, #tpu.memory_space<vmem>>
    %dma_start3A_56 = arith.constant 0 : i32
    %dma_start3A_57 = arith.constant 0 : i32
    %dma_start3A_58 = tpu.memref_slice %arg3[%dma_start3A_56, %dma_start3A_57] : memref<2048x4096xf32, #tpu.memory_space<hbm>> -> memref<2048x4096xf32, #tpu.memory_space<hbm>>
    tpu.enqueue_indirect_dma source(%dma_start3A_58 : memref<2048x4096xf32, #tpu.memory_space<hbm>>) target(%arg7 : memref<8x4096xf32, #tpu.memory_space<vmem>>) offsets(%dma_start3A_55 : memref<8xi32, #tpu.memory_space<vmem>>) semaphore(%arg9 : memref<!tpu.dma_semaphore, #tpu.memory_space<semaphore_mem>>)
    %dma_wait3A_59 = arith.constant 32 : i32
    %dma_wait3A_60 = tpu.memref_slice %arg5[%dma_wait3A_59] : memref<64xi32, #tpu.memory_space<vmem>> -> memref<8xi32, #tpu.memory_space<vmem>>
    %dma_wait3A_61 = arith.constant 0 : i32
    %dma_wait3A_62 = arith.constant 0 : i32
    %dma_wait3A_63 = tpu.memref_slice %arg3[%dma_wait3A_61, %dma_wait3A_62] : memref<2048x4096xf32, #tpu.memory_space<hbm>> -> memref<2048x4096xf32, #tpu.memory_space<hbm>>
    tpu.wait_indirect_dma semaphore(%arg8 : memref<!tpu.dma_semaphore, #tpu.memory_space<semaphore_mem>>) src(%dma_wait3A_63 : memref<2048x4096xf32, #tpu.memory_space<hbm>>) dst(%arg6 : memref<8x4096xf32, #tpu.memory_space<vmem>>)
    %add3A_64 = arith.constant 32 : i32
    %add3A_65 = arith.addi %mul3A_2, %add3A_64 : i32
    "tpu.region"() ({
      %run_scoped3A = tpu.sem_alloc : memref<!tpu.dma_semaphore, #tpu.memory_space<semaphore_mem>>
      %dma_start3A_97 = arith.constant 0 : i32
      %dma_start3A_98 = tpu.memref_slice %arg4[%add3A_65, %dma_start3A_97] : memref<2048x4096xf32, #tpu.memory_space<hbm>> -> memref<8x4096xf32, #tpu.memory_space<hbm>>
      %dma_start3A_99 = arith.constant 0 : i32
      %dma_start3A_100 = tpu.memref_slice %arg4[%add3A_65, %dma_start3A_99] : memref<2048x4096xf32, #tpu.memory_space<hbm>> -> memref<8x4096xf32, #tpu.memory_space<hbm>>
      tpu.enqueue_dma source(%arg6 : memref<8x4096xf32, #tpu.memory_space<vmem>>) target(%dma_start3A_100 : memref<8x4096xf32, #tpu.memory_space<hbm>>) target_semaphore(%run_scoped3A : memref<!tpu.dma_semaphore, #tpu.memory_space<semaphore_mem>>)
      %dma_wait3A_101 = arith.constant 0 : i32
      %dma_wait3A_102 = tpu.memref_slice %arg4[%add3A_65, %dma_wait3A_101] : memref<2048x4096xf32, #tpu.memory_space<hbm>> -> memref<8x4096xf32, #tpu.memory_space<hbm>>
      %dma_wait3A_103 = arith.constant 0 : i32
      %dma_wait3A_104 = tpu.memref_slice %arg4[%add3A_65, %dma_wait3A_103] : memref<2048x4096xf32, #tpu.memory_space<hbm>> -> memref<8x4096xf32, #tpu.memory_space<hbm>>
      tpu.wait_dma2 semaphore(%run_scoped3A : memref<!tpu.dma_semaphore, #tpu.memory_space<semaphore_mem>>) src(%arg6 : memref<8x4096xf32, #tpu.memory_space<vmem>>) dst(%dma_wait3A_104 : memref<8x4096xf32, #tpu.memory_space<hbm>>)
      tpu.yield
    }) : () -> ()
    %dma_start3A_66 = arith.constant 48 : i32
    %dma_start3A_67 = tpu.memref_slice %arg5[%dma_start3A_66] : memref<64xi32, #tpu.memory_space<vmem>> -> memref<8xi32, #tpu.memory_space<vmem>>
    %dma_start3A_68 = arith.constant 0 : i32
    %dma_start3A_69 = arith.constant 0 : i32
    %dma_start3A_70 = tpu.memref_slice %arg3[%dma_start3A_68, %dma_start3A_69] : memref<2048x4096xf32, #tpu.memory_space<hbm>> -> memref<2048x4096xf32, #tpu.memory_space<hbm>>
    tpu.enqueue_indirect_dma source(%dma_start3A_70 : memref<2048x4096xf32, #tpu.memory_space<hbm>>) target(%arg6 : memref<8x4096xf32, #tpu.memory_space<vmem>>) offsets(%dma_start3A_67 : memref<8xi32, #tpu.memory_space<vmem>>) semaphore(%arg8 : memref<!tpu.dma_semaphore, #tpu.memory_space<semaphore_mem>>)
    %dma_wait3A_71 = arith.constant 40 : i32
    %dma_wait3A_72 = tpu.memref_slice %arg5[%dma_wait3A_71] : memref<64xi32, #tpu.memory_space<vmem>> -> memref<8xi32, #tpu.memory_space<vmem>>
    %dma_wait3A_73 = arith.constant 0 : i32
    %dma_wait3A_74 = arith.constant 0 : i32
    %dma_wait3A_75 = tpu.memref_slice %arg3[%dma_wait3A_73, %dma_wait3A_74] : memref<2048x4096xf32, #tpu.memory_space<hbm>> -> memref<2048x4096xf32, #tpu.memory_space<hbm>>
    tpu.wait_indirect_dma semaphore(%arg9 : memref<!tpu.dma_semaphore, #tpu.memory_space<semaphore_mem>>) src(%dma_wait3A_75 : memref<2048x4096xf32, #tpu.memory_space<hbm>>) dst(%arg7 : memref<8x4096xf32, #tpu.memory_space<vmem>>)
    %add3A_76 = arith.constant 40 : i32
    %add3A_77 = arith.addi %mul3A_2, %add3A_76 : i32
    "tpu.region"() ({
      %run_scoped3A = tpu.sem_alloc : memref<!tpu.dma_semaphore, #tpu.memory_space<semaphore_mem>>
      %dma_start3A_97 = arith.constant 0 : i32
      %dma_start3A_98 = tpu.memref_slice %arg4[%add3A_77, %dma_start3A_97] : memref<2048x4096xf32, #tpu.memory_space<hbm>> -> memref<8x4096xf32, #tpu.memory_space<hbm>>
      %dma_start3A_99 = arith.constant 0 : i32
      %dma_start3A_100 = tpu.memref_slice %arg4[%add3A_77, %dma_start3A_99] : memref<2048x4096xf32, #tpu.memory_space<hbm>> -> memref<8x4096xf32, #tpu.memory_space<hbm>>
      tpu.enqueue_dma source(%arg7 : memref<8x4096xf32, #tpu.memory_space<vmem>>) target(%dma_start3A_100 : memref<8x4096xf32, #tpu.memory_space<hbm>>) target_semaphore(%run_scoped3A : memref<!tpu.dma_semaphore, #tpu.memory_space<semaphore_mem>>)
      %dma_wait3A_101 = arith.constant 0 : i32
      %dma_wait3A_102 = tpu.memref_slice %arg4[%add3A_77, %dma_wait3A_101] : memref<2048x4096xf32, #tpu.memory_space<hbm>> -> memref<8x4096xf32, #tpu.memory_space<hbm>>
      %dma_wait3A_103 = arith.constant 0 : i32
      %dma_wait3A_104 = tpu.memref_slice %arg4[%add3A_77, %dma_wait3A_103] : memref<2048x4096xf32, #tpu.memory_space<hbm>> -> memref<8x4096xf32, #tpu.memory_space<hbm>>
      tpu.wait_dma2 semaphore(%run_scoped3A : memref<!tpu.dma_semaphore, #tpu.memory_space<semaphore_mem>>) src(%arg7 : memref<8x4096xf32, #tpu.memory_space<vmem>>) dst(%dma_wait3A_104 : memref<8x4096xf32, #tpu.memory_space<hbm>>)
      tpu.yield
    }) : () -> ()
    %dma_start3A_78 = arith.constant 56 : i32
    %dma_start3A_79 = tpu.memref_slice %arg5[%dma_start3A_78] : memref<64xi32, #tpu.memory_space<vmem>> -> memref<8xi32, #tpu.memory_space<vmem>>
    %dma_start3A_80 = arith.constant 0 : i32
    %dma_start3A_81 = arith.constant 0 : i32
    %dma_start3A_82 = tpu.memref_slice %arg3[%dma_start3A_80, %dma_start3A_81] : memref<2048x4096xf32, #tpu.memory_space<hbm>> -> memref<2048x4096xf32, #tpu.memory_space<hbm>>
    tpu.enqueue_indirect_dma source(%dma_start3A_82 : memref<2048x4096xf32, #tpu.memory_space<hbm>>) target(%arg7 : memref<8x4096xf32, #tpu.memory_space<vmem>>) offsets(%dma_start3A_79 : memref<8xi32, #tpu.memory_space<vmem>>) semaphore(%arg9 : memref<!tpu.dma_semaphore, #tpu.memory_space<semaphore_mem>>)
    %dma_wait3A_83 = arith.constant 48 : i32
    %dma_wait3A_84 = tpu.memref_slice %arg5[%dma_wait3A_83] : memref<64xi32, #tpu.memory_space<vmem>> -> memref<8xi32, #tpu.memory_space<vmem>>
    %dma_wait3A_85 = arith.constant 0 : i32
    %dma_wait3A_86 = arith.constant 0 : i32
    %dma_wait3A_87 = tpu.memref_slice %arg3[%dma_wait3A_85, %dma_wait3A_86] : memref<2048x4096xf32, #tpu.memory_space<hbm>> -> memref<2048x4096xf32, #tpu.memory_space<hbm>>
    tpu.wait_indirect_dma semaphore(%arg8 : memref<!tpu.dma_semaphore, #tpu.memory_space<semaphore_mem>>) src(%dma_wait3A_87 : memref<2048x4096xf32, #tpu.memory_space<hbm>>) dst(%arg6 : memref<8x4096xf32, #tpu.memory_space<vmem>>)
    %add3A_88 = arith.constant 48 : i32
    %add3A_89 = arith.addi %mul3A_2, %add3A_88 : i32
    "tpu.region"() ({
      %run_scoped3A = tpu.sem_alloc : memref<!tpu.dma_semaphore, #tpu.memory_space<semaphore_mem>>
      %dma_start3A_97 = arith.constant 0 : i32
      %dma_start3A_98 = tpu.memref_slice %arg4[%add3A_89, %dma_start3A_97] : memref<2048x4096xf32, #tpu.memory_space<hbm>> -> memref<8x4096xf32, #tpu.memory_space<hbm>>
      %dma_start3A_99 = arith.constant 0 : i32
      %dma_start3A_100 = tpu.memref_slice %arg4[%add3A_89, %dma_start3A_99] : memref<2048x4096xf32, #tpu.memory_space<hbm>> -> memref<8x4096xf32, #tpu.memory_space<hbm>>
      tpu.enqueue_dma source(%arg6 : memref<8x4096xf32, #tpu.memory_space<vmem>>) target(%dma_start3A_100 : memref<8x4096xf32, #tpu.memory_space<hbm>>) target_semaphore(%run_scoped3A : memref<!tpu.dma_semaphore, #tpu.memory_space<semaphore_mem>>)
      %dma_wait3A_101 = arith.constant 0 : i32
      %dma_wait3A_102 = tpu.memref_slice %arg4[%add3A_89, %dma_wait3A_101] : memref<2048x4096xf32, #tpu.memory_space<hbm>> -> memref<8x4096xf32, #tpu.memory_space<hbm>>
      %dma_wait3A_103 = arith.constant 0 : i32
      %dma_wait3A_104 = tpu.memref_slice %arg4[%add3A_89, %dma_wait3A_103] : memref<2048x4096xf32, #tpu.memory_space<hbm>> -> memref<8x4096xf32, #tpu.memory_space<hbm>>
      tpu.wait_dma2 semaphore(%run_scoped3A : memref<!tpu.dma_semaphore, #tpu.memory_space<semaphore_mem>>) src(%arg6 : memref<8x4096xf32, #tpu.memory_space<vmem>>) dst(%dma_wait3A_104 : memref<8x4096xf32, #tpu.memory_space<hbm>>)
      tpu.yield
    }) : () -> ()
    %dma_wait3A_90 = arith.constant 56 : i32
    %dma_wait3A_91 = tpu.memref_slice %arg5[%dma_wait3A_90] : memref<64xi32, #tpu.memory_space<vmem>> -> memref<8xi32, #tpu.memory_space<vmem>>
    %dma_wait3A_92 = arith.constant 0 : i32
    %dma_wait3A_93 = arith.constant 0 : i32
    %dma_wait3A_94 = tpu.memref_slice %arg3[%dma_wait3A_92, %dma_wait3A_93] : memref<2048x4096xf32, #tpu.memory_space<hbm>> -> memref<2048x4096xf32, #tpu.memory_space<hbm>>
    tpu.wait_indirect_dma semaphore(%arg9 : memref<!tpu.dma_semaphore, #tpu.memory_space<semaphore_mem>>) src(%dma_wait3A_94 : memref<2048x4096xf32, #tpu.memory_space<hbm>>) dst(%arg7 : memref<8x4096xf32, #tpu.memory_space<vmem>>)
    %add3A_95 = arith.constant 56 : i32
    %add3A_96 = arith.addi %mul3A_2, %add3A_95 : i32
    "tpu.region"() ({
      %run_scoped3A = tpu.sem_alloc : memref<!tpu.dma_semaphore, #tpu.memory_space<semaphore_mem>>
      %dma_start3A_97 = arith.constant 0 : i32
      %dma_start3A_98 = tpu.memref_slice %arg4[%add3A_96, %dma_start3A_97] : memref<2048x4096xf32, #tpu.memory_space<hbm>> -> memref<8x4096xf32, #tpu.memory_space<hbm>>
      %dma_start3A_99 = arith.constant 0 : i32
      %dma_start3A_100 = tpu.memref_slice %arg4[%add3A_96, %dma_start3A_99] : memref<2048x4096xf32, #tpu.memory_space<hbm>> -> memref<8x4096xf32, #tpu.memory_space<hbm>>
      tpu.enqueue_dma source(%arg7 : memref<8x4096xf32, #tpu.memory_space<vmem>>) target(%dma_start3A_100 : memref<8x4096xf32, #tpu.memory_space<hbm>>) target_semaphore(%run_scoped3A : memref<!tpu.dma_semaphore, #tpu.memory_space<semaphore_mem>>)
      %dma_wait3A_101 = arith.constant 0 : i32
      %dma_wait3A_102 = tpu.memref_slice %arg4[%add3A_96, %dma_wait3A_101] : memref<2048x4096xf32, #tpu.memory_space<hbm>> -> memref<8x4096xf32, #tpu.memory_space<hbm>>
      %dma_wait3A_103 = arith.constant 0 : i32
      %dma_wait3A_104 = tpu.memref_slice %arg4[%add3A_96, %dma_wait3A_103] : memref<2048x4096xf32, #tpu.memory_space<hbm>> -> memref<8x4096xf32, #tpu.memory_space<hbm>>
      tpu.wait_dma2 semaphore(%run_scoped3A : memref<!tpu.dma_semaphore, #tpu.memory_space<semaphore_mem>>) src(%arg7 : memref<8x4096xf32, #tpu.memory_space<vmem>>) dst(%dma_wait3A_104 : memref<8x4096xf32, #tpu.memory_space<hbm>>)
      tpu.yield
    }) : () -> ()
    return
  }
}

#map = affine_map<(d0, d1) -> (0)>
#map1 = affine_map<(d0, d1) -> (0, 0)>
module attributes {stable_mosaic.version = 14 : i64} {
  func.func @_sc_scatter_x(%arg0: i32, %arg1: i32, %arg2: memref<2048xi32, #tpu.memory_space<hbm>>, %arg3: memref<2048x2048xf32, #tpu.memory_space<hbm>>, %arg4: memref<2048x2048xf32, #tpu.memory_space<hbm>>, %arg5: memref<64xi32, #tpu.memory_space<vmem>>, %arg6: memref<16x2048xf32, #tpu.memory_space<vmem>>, %arg7: memref<16x2048xf32, #tpu.memory_space<vmem>>, %arg8: memref<!tpu.dma_semaphore, #tpu.memory_space<semaphore_mem>>, %arg9: memref<!tpu.dma_semaphore, #tpu.memory_space<semaphore_mem>>) attributes {dimension_semantics = [#tpu.dimension_semantics<core_parallel>, #tpu.dimension_semantics<subcore_parallel>], iteration_bounds = array<i64: 2, 16>, scalar_prefetch = 0 : i64, scratch_operands = 5 : i64, tpu.core_type = #tpu.core_type<sc_vector_subcore>, window_params = [{transform_indices = #map}, {transform_indices = #map1}, {transform_indices = #map1}]} {
    %mul3A = arith.constant 2 : i32
    %mul3A_0 = arith.muli %arg1, %mul3A : i32
    %add3A = arith.addi %mul3A_0, %arg0 : i32
    %mul3A_1 = arith.constant 64 : i32
    %mul3A_2 = arith.muli %add3A, %mul3A_1 : i32
    "tpu.region"() ({
      %run_scoped3A = tpu.sem_alloc : memref<!tpu.dma_semaphore, #tpu.memory_space<semaphore_mem>>
      %dma_start3A_44 = tpu.memref_slice %arg2[%mul3A_2] : memref<2048xi32, #tpu.memory_space<hbm>> -> memref<64xi32, #tpu.memory_space<hbm>>
      %dma_start3A_45 = tpu.memref_slice %arg2[%mul3A_2] : memref<2048xi32, #tpu.memory_space<hbm>> -> memref<64xi32, #tpu.memory_space<hbm>>
      tpu.enqueue_dma source(%dma_start3A_45 : memref<64xi32, #tpu.memory_space<hbm>>) target(%arg5 : memref<64xi32, #tpu.memory_space<vmem>>) target_semaphore(%run_scoped3A : memref<!tpu.dma_semaphore, #tpu.memory_space<semaphore_mem>>)
      %dma_wait3A_46 = tpu.memref_slice %arg2[%mul3A_2] : memref<2048xi32, #tpu.memory_space<hbm>> -> memref<64xi32, #tpu.memory_space<hbm>>
      %dma_wait3A_47 = tpu.memref_slice %arg2[%mul3A_2] : memref<2048xi32, #tpu.memory_space<hbm>> -> memref<64xi32, #tpu.memory_space<hbm>>
      tpu.wait_dma2 semaphore(%run_scoped3A : memref<!tpu.dma_semaphore, #tpu.memory_space<semaphore_mem>>) src(%dma_wait3A_47 : memref<64xi32, #tpu.memory_space<hbm>>) dst(%arg5 : memref<64xi32, #tpu.memory_space<vmem>>)
      tpu.yield
    }) : () -> ()
    %add3A_3 = arith.constant 0 : i32
    %add3A_4 = arith.addi %mul3A_2, %add3A_3 : i32
    "tpu.region"() ({
      %run_scoped3A = tpu.sem_alloc : memref<!tpu.dma_semaphore, #tpu.memory_space<semaphore_mem>>
      %dma_start3A_44 = arith.constant 0 : i32
      %dma_start3A_45 = tpu.memref_slice %arg3[%add3A_4, %dma_start3A_44] : memref<2048x2048xf32, #tpu.memory_space<hbm>> -> memref<16x2048xf32, #tpu.memory_space<hbm>>
      %dma_start3A_46 = arith.constant 0 : i32
      %dma_start3A_47 = tpu.memref_slice %arg3[%add3A_4, %dma_start3A_46] : memref<2048x2048xf32, #tpu.memory_space<hbm>> -> memref<16x2048xf32, #tpu.memory_space<hbm>>
      tpu.enqueue_dma source(%dma_start3A_47 : memref<16x2048xf32, #tpu.memory_space<hbm>>) target(%arg6 : memref<16x2048xf32, #tpu.memory_space<vmem>>) target_semaphore(%run_scoped3A : memref<!tpu.dma_semaphore, #tpu.memory_space<semaphore_mem>>)
      %dma_wait3A_48 = arith.constant 0 : i32
      %dma_wait3A_49 = tpu.memref_slice %arg3[%add3A_4, %dma_wait3A_48] : memref<2048x2048xf32, #tpu.memory_space<hbm>> -> memref<16x2048xf32, #tpu.memory_space<hbm>>
      %dma_wait3A_50 = arith.constant 0 : i32
      %dma_wait3A_51 = tpu.memref_slice %arg3[%add3A_4, %dma_wait3A_50] : memref<2048x2048xf32, #tpu.memory_space<hbm>> -> memref<16x2048xf32, #tpu.memory_space<hbm>>
      tpu.wait_dma2 semaphore(%run_scoped3A : memref<!tpu.dma_semaphore, #tpu.memory_space<semaphore_mem>>) src(%dma_wait3A_51 : memref<16x2048xf32, #tpu.memory_space<hbm>>) dst(%arg6 : memref<16x2048xf32, #tpu.memory_space<vmem>>)
      tpu.yield
    }) : () -> ()
    %get3A = arith.constant 0 : index
    %get3A_5 = tpu.vector_load %arg5[%get3A] {strides = array<i32>} : memref<64xi32, #tpu.memory_space<vmem>>, vector<16xi32>,
    %get3A_6 = vector.shape_cast %get3A_5 : vector<16xi32> to vector<16xi32>
    %dma_start3A = arith.constant 0 : i32
    %dma_start3A_7 = arith.constant 0 : i32
    %dma_start3A_8 = tpu.memref_slice %arg4[%dma_start3A, %dma_start3A_7] : memref<2048x2048xf32, #tpu.memory_space<hbm>> -> memref<2048x2048xf32, #tpu.memory_space<hbm>>
    tpu.enqueue_indirect_dma source(%arg6 : memref<16x2048xf32, #tpu.memory_space<vmem>>) target(%dma_start3A_8 : memref<2048x2048xf32, #tpu.memory_space<hbm>>) offsets(%get3A_6 : vector<16xi32>) semaphore(%arg8 : memref<!tpu.dma_semaphore, #tpu.memory_space<semaphore_mem>>)
    %add3A_9 = arith.constant 16 : i32
    %add3A_10 = arith.addi %mul3A_2, %add3A_9 : i32
    "tpu.region"() ({
      %run_scoped3A = tpu.sem_alloc : memref<!tpu.dma_semaphore, #tpu.memory_space<semaphore_mem>>
      %dma_start3A_44 = arith.constant 0 : i32
      %dma_start3A_45 = tpu.memref_slice %arg3[%add3A_10, %dma_start3A_44] : memref<2048x2048xf32, #tpu.memory_space<hbm>> -> memref<16x2048xf32, #tpu.memory_space<hbm>>
      %dma_start3A_46 = arith.constant 0 : i32
      %dma_start3A_47 = tpu.memref_slice %arg3[%add3A_10, %dma_start3A_46] : memref<2048x2048xf32, #tpu.memory_space<hbm>> -> memref<16x2048xf32, #tpu.memory_space<hbm>>
      tpu.enqueue_dma source(%dma_start3A_47 : memref<16x2048xf32, #tpu.memory_space<hbm>>) target(%arg7 : memref<16x2048xf32, #tpu.memory_space<vmem>>) target_semaphore(%run_scoped3A : memref<!tpu.dma_semaphore, #tpu.memory_space<semaphore_mem>>)
      %dma_wait3A_48 = arith.constant 0 : i32
      %dma_wait3A_49 = tpu.memref_slice %arg3[%add3A_10, %dma_wait3A_48] : memref<2048x2048xf32, #tpu.memory_space<hbm>> -> memref<16x2048xf32, #tpu.memory_space<hbm>>
      %dma_wait3A_50 = arith.constant 0 : i32
      %dma_wait3A_51 = tpu.memref_slice %arg3[%add3A_10, %dma_wait3A_50] : memref<2048x2048xf32, #tpu.memory_space<hbm>> -> memref<16x2048xf32, #tpu.memory_space<hbm>>
      tpu.wait_dma2 semaphore(%run_scoped3A : memref<!tpu.dma_semaphore, #tpu.memory_space<semaphore_mem>>) src(%dma_wait3A_51 : memref<16x2048xf32, #tpu.memory_space<hbm>>) dst(%arg7 : memref<16x2048xf32, #tpu.memory_space<vmem>>)
      tpu.yield
    }) : () -> ()
    %get3A_11 = arith.constant 16 : index
    %get3A_12 = tpu.vector_load %arg5[%get3A_11] {strides = array<i32>} : memref<64xi32, #tpu.memory_space<vmem>>, vector<16xi32>,
    %get3A_13 = vector.shape_cast %get3A_12 : vector<16xi32> to vector<16xi32>
    %dma_start3A_14 = arith.constant 0 : i32
    %dma_start3A_15 = arith.constant 0 : i32
    %dma_start3A_16 = tpu.memref_slice %arg4[%dma_start3A_14, %dma_start3A_15] : memref<2048x2048xf32, #tpu.memory_space<hbm>> -> memref<2048x2048xf32, #tpu.memory_space<hbm>>
    tpu.enqueue_indirect_dma source(%arg7 : memref<16x2048xf32, #tpu.memory_space<vmem>>) target(%dma_start3A_16 : memref<2048x2048xf32, #tpu.memory_space<hbm>>) offsets(%get3A_13 : vector<16xi32>) semaphore(%arg9 : memref<!tpu.dma_semaphore, #tpu.memory_space<semaphore_mem>>)
    %dma_wait3A = arith.constant 0 : i32
    %dma_wait3A_17 = arith.constant 0 : i32
    %dma_wait3A_18 = tpu.memref_slice %arg4[%dma_wait3A, %dma_wait3A_17] : memref<2048x2048xf32, #tpu.memory_space<hbm>> -> memref<2048x2048xf32, #tpu.memory_space<hbm>>
    tpu.wait_indirect_dma semaphore(%arg8 : memref<!tpu.dma_semaphore, #tpu.memory_space<semaphore_mem>>) src(%arg6 : memref<16x2048xf32, #tpu.memory_space<vmem>>) dst(%dma_wait3A_18 : memref<2048x2048xf32, #tpu.memory_space<hbm>>)
    %add3A_19 = arith.constant 32 : i32
    %add3A_20 = arith.addi %mul3A_2, %add3A_19 : i32
    "tpu.region"() ({
      %run_scoped3A = tpu.sem_alloc : memref<!tpu.dma_semaphore, #tpu.memory_space<semaphore_mem>>
      %dma_start3A_44 = arith.constant 0 : i32
      %dma_start3A_45 = tpu.memref_slice %arg3[%add3A_20, %dma_start3A_44] : memref<2048x2048xf32, #tpu.memory_space<hbm>> -> memref<16x2048xf32, #tpu.memory_space<hbm>>
      %dma_start3A_46 = arith.constant 0 : i32
      %dma_start3A_47 = tpu.memref_slice %arg3[%add3A_20, %dma_start3A_46] : memref<2048x2048xf32, #tpu.memory_space<hbm>> -> memref<16x2048xf32, #tpu.memory_space<hbm>>
      tpu.enqueue_dma source(%dma_start3A_47 : memref<16x2048xf32, #tpu.memory_space<hbm>>) target(%arg6 : memref<16x2048xf32, #tpu.memory_space<vmem>>) target_semaphore(%run_scoped3A : memref<!tpu.dma_semaphore, #tpu.memory_space<semaphore_mem>>)
      %dma_wait3A_48 = arith.constant 0 : i32
      %dma_wait3A_49 = tpu.memref_slice %arg3[%add3A_20, %dma_wait3A_48] : memref<2048x2048xf32, #tpu.memory_space<hbm>> -> memref<16x2048xf32, #tpu.memory_space<hbm>>
      %dma_wait3A_50 = arith.constant 0 : i32
      %dma_wait3A_51 = tpu.memref_slice %arg3[%add3A_20, %dma_wait3A_50] : memref<2048x2048xf32, #tpu.memory_space<hbm>> -> memref<16x2048xf32, #tpu.memory_space<hbm>>
      tpu.wait_dma2 semaphore(%run_scoped3A : memref<!tpu.dma_semaphore, #tpu.memory_space<semaphore_mem>>) src(%dma_wait3A_51 : memref<16x2048xf32, #tpu.memory_space<hbm>>) dst(%arg6 : memref<16x2048xf32, #tpu.memory_space<vmem>>)
      tpu.yield
    }) : () -> ()
    %get3A_21 = arith.constant 32 : index
    %get3A_22 = tpu.vector_load %arg5[%get3A_21] {strides = array<i32>} : memref<64xi32, #tpu.memory_space<vmem>>, vector<16xi32>,
    %get3A_23 = vector.shape_cast %get3A_22 : vector<16xi32> to vector<16xi32>
    %dma_start3A_24 = arith.constant 0 : i32
    %dma_start3A_25 = arith.constant 0 : i32
    %dma_start3A_26 = tpu.memref_slice %arg4[%dma_start3A_24, %dma_start3A_25] : memref<2048x2048xf32, #tpu.memory_space<hbm>> -> memref<2048x2048xf32, #tpu.memory_space<hbm>>
    tpu.enqueue_indirect_dma source(%arg6 : memref<16x2048xf32, #tpu.memory_space<vmem>>) target(%dma_start3A_26 : memref<2048x2048xf32, #tpu.memory_space<hbm>>) offsets(%get3A_23 : vector<16xi32>) semaphore(%arg8 : memref<!tpu.dma_semaphore, #tpu.memory_space<semaphore_mem>>)
    %dma_wait3A_27 = arith.constant 0 : i32
    %dma_wait3A_28 = arith.constant 0 : i32
    %dma_wait3A_29 = tpu.memref_slice %arg4[%dma_wait3A_27, %dma_wait3A_28] : memref<2048x2048xf32, #tpu.memory_space<hbm>> -> memref<2048x2048xf32, #tpu.memory_space<hbm>>
    tpu.wait_indirect_dma semaphore(%arg9 : memref<!tpu.dma_semaphore, #tpu.memory_space<semaphore_mem>>) src(%arg7 : memref<16x2048xf32, #tpu.memory_space<vmem>>) dst(%dma_wait3A_29 : memref<2048x2048xf32, #tpu.memory_space<hbm>>)
    %add3A_30 = arith.constant 48 : i32
    %add3A_31 = arith.addi %mul3A_2, %add3A_30 : i32
    "tpu.region"() ({
      %run_scoped3A = tpu.sem_alloc : memref<!tpu.dma_semaphore, #tpu.memory_space<semaphore_mem>>
      %dma_start3A_44 = arith.constant 0 : i32
      %dma_start3A_45 = tpu.memref_slice %arg3[%add3A_31, %dma_start3A_44] : memref<2048x2048xf32, #tpu.memory_space<hbm>> -> memref<16x2048xf32, #tpu.memory_space<hbm>>
      %dma_start3A_46 = arith.constant 0 : i32
      %dma_start3A_47 = tpu.memref_slice %arg3[%add3A_31, %dma_start3A_46] : memref<2048x2048xf32, #tpu.memory_space<hbm>> -> memref<16x2048xf32, #tpu.memory_space<hbm>>
      tpu.enqueue_dma source(%dma_start3A_47 : memref<16x2048xf32, #tpu.memory_space<hbm>>) target(%arg7 : memref<16x2048xf32, #tpu.memory_space<vmem>>) target_semaphore(%run_scoped3A : memref<!tpu.dma_semaphore, #tpu.memory_space<semaphore_mem>>)
      %dma_wait3A_48 = arith.constant 0 : i32
      %dma_wait3A_49 = tpu.memref_slice %arg3[%add3A_31, %dma_wait3A_48] : memref<2048x2048xf32, #tpu.memory_space<hbm>> -> memref<16x2048xf32, #tpu.memory_space<hbm>>
      %dma_wait3A_50 = arith.constant 0 : i32
      %dma_wait3A_51 = tpu.memref_slice %arg3[%add3A_31, %dma_wait3A_50] : memref<2048x2048xf32, #tpu.memory_space<hbm>> -> memref<16x2048xf32, #tpu.memory_space<hbm>>
      tpu.wait_dma2 semaphore(%run_scoped3A : memref<!tpu.dma_semaphore, #tpu.memory_space<semaphore_mem>>) src(%dma_wait3A_51 : memref<16x2048xf32, #tpu.memory_space<hbm>>) dst(%arg7 : memref<16x2048xf32, #tpu.memory_space<vmem>>)
      tpu.yield
    }) : () -> ()
    %get3A_32 = arith.constant 48 : index
    %get3A_33 = tpu.vector_load %arg5[%get3A_32] {strides = array<i32>} : memref<64xi32, #tpu.memory_space<vmem>>, vector<16xi32>,
    %get3A_34 = vector.shape_cast %get3A_33 : vector<16xi32> to vector<16xi32>
    %dma_start3A_35 = arith.constant 0 : i32
    %dma_start3A_36 = arith.constant 0 : i32
    %dma_start3A_37 = tpu.memref_slice %arg4[%dma_start3A_35, %dma_start3A_36] : memref<2048x2048xf32, #tpu.memory_space<hbm>> -> memref<2048x2048xf32, #tpu.memory_space<hbm>>
    tpu.enqueue_indirect_dma source(%arg7 : memref<16x2048xf32, #tpu.memory_space<vmem>>) target(%dma_start3A_37 : memref<2048x2048xf32, #tpu.memory_space<hbm>>) offsets(%get3A_34 : vector<16xi32>) semaphore(%arg9 : memref<!tpu.dma_semaphore, #tpu.memory_space<semaphore_mem>>)
    %dma_wait3A_38 = arith.constant 0 : i32
    %dma_wait3A_39 = arith.constant 0 : i32
    %dma_wait3A_40 = tpu.memref_slice %arg4[%dma_wait3A_38, %dma_wait3A_39] : memref<2048x2048xf32, #tpu.memory_space<hbm>> -> memref<2048x2048xf32, #tpu.memory_space<hbm>>
    tpu.wait_indirect_dma semaphore(%arg8 : memref<!tpu.dma_semaphore, #tpu.memory_space<semaphore_mem>>) src(%arg6 : memref<16x2048xf32, #tpu.memory_space<vmem>>) dst(%dma_wait3A_40 : memref<2048x2048xf32, #tpu.memory_space<hbm>>)
    %dma_wait3A_41 = arith.constant 0 : i32
    %dma_wait3A_42 = arith.constant 0 : i32
    %dma_wait3A_43 = tpu.memref_slice %arg4[%dma_wait3A_41, %dma_wait3A_42] : memref<2048x2048xf32, #tpu.memory_space<hbm>> -> memref<2048x2048xf32, #tpu.memory_space<hbm>>
    tpu.wait_indirect_dma semaphore(%arg9 : memref<!tpu.dma_semaphore, #tpu.memory_space<semaphore_mem>>) src(%arg7 : memref<16x2048xf32, #tpu.memory_space<vmem>>) dst(%dma_wait3A_43 : memref<2048x2048xf32, #tpu.memory_space<hbm>>)
    return
  }
}

module attributes {stable_mosaic.version = 14 : i64} {
  func.func @_tc_fused_body(%arg0: i32, %arg1: memref<1x16xi32, #tpu.memory_space<smem>>, %arg2: memref<128x2048xf32, #tpu.memory_space<vmem>>, %arg3: memref<8x64x2048xf32, #tpu.memory_space<vmem>>, %arg4: memref<8x4096x64xf32, #tpu.memory_space<vmem>>, %arg5: memref<128x4096xf32, #tpu.memory_space<vmem>>) attributes {dimension_semantics = [#tpu.dimension_semantics<arbitrary>], iteration_bounds = array<i64: 16>, scalar_prefetch = 0 : i64, scratch_operands = 0 : i64, tpu.core_type = #tpu.core_type<tc>, window_params = [{transform_indices = @transform_0, window_bounds = array<i64: 1, 16>}, {transform_indices = @transform_1, window_bounds = array<i64: 128, 2048>}, {pipeline_mode = #tpu.pipeline_mode<synchronous>, transform_indices = @transform_2, window_bounds = array<i64: 8, 64, 2048>}, {pipeline_mode = #tpu.pipeline_mode<synchronous>, transform_indices = @transform_3, window_bounds = array<i64: 8, 4096, 64>}, {transform_indices = @transform_4, window_bounds = array<i64: 128, 4096>}]} {
    %mul3A = arith.constant 128 : i32
    %mul3A_0 = arith.muli %arg0, %mul3A : i32
    %iota3A = tpu.iota {dimensions = array<i32: 0>} : vector<128x1xi32>
    %add3A = vector.broadcast %mul3A_0 : i32 to vector<128x1xi32>
    %add3A_1 = arith.addi %add3A, %iota3A : vector<128x1xi32>
    %broadcast_in_dim3A = arith.constant 0.000000e+00 : f32
    %broadcast_in_dim3A_2 = vector.broadcast %broadcast_in_dim3A : f32 to vector<128x4096xf32>
    %swap3A = arith.constant 0 : index
    %swap3A_3 = arith.constant 0 : index
    %swap3A_4 = vector.load %arg5[%swap3A, %swap3A_3] : memref<128x4096xf32, #tpu.memory_space<vmem>>, vector<128x4096xf32>
    tpu.vector_store %arg5[%swap3A, %swap3A_3], %broadcast_in_dim3A_2 {strides = array<i32>} : memref<128x4096xf32, #tpu.memory_space<vmem>>, vector<128x4096xf32>,
    %get3A = arith.constant 0 : index
    %get3A_5 = arith.constant 0 : index
    %get3A_6 = memref.load %arg1[%get3A, %get3A_5] : memref<1x16xi32, #tpu.memory_space<smem>>
    %get3A_7 = arith.constant 0 : index
    %get3A_8 = arith.constant 1 : index
    %get3A_9 = memref.load %arg1[%get3A_7, %get3A_8] : memref<1x16xi32, #tpu.memory_space<smem>>
    %gt3A = arith.cmpi sgt, %get3A_9, %mul3A_0 : i32
    %add3A_10 = arith.constant 128 : i32
    %add3A_11 = arith.addi %mul3A_0, %add3A_10 : i32
    %lt3A = arith.cmpi slt, %get3A_6, %add3A_11 : i32
    %and3A = arith.andi %gt3A, %lt3A : i1
    %convert_element_type3A = arith.extui %and3A : i1 to i32
    %cond3A = arith.constant 0 : i32
    %cond3A_12 = arith.cmpi ne, %convert_element_type3A, %cond3A : i32
    scf.if %cond3A_12 {
      %ge3A = vector.broadcast %get3A_6 : i32 to vector<128x1xi32>
      %ge3A_109 = arith.cmpi sge, %add3A_1, %ge3A : vector<128x1xi32>
      %lt3A_110 = vector.broadcast %get3A_9 : i32 to vector<128x1xi32>
      %lt3A_111 = arith.cmpi slt, %add3A_1, %lt3A_110 : vector<128x1xi32>
      %and3A_112 = arith.andi %ge3A_109, %lt3A_111 : vector<128x1xi1>
      %get3A_113 = arith.constant 0 : index
      %get3A_114 = arith.constant 0 : index
      %get3A_115 = vector.load %arg2[%get3A_113, %get3A_114] : memref<128x2048xf32, #tpu.memory_space<vmem>>, vector<128x2048xf32>
      %get3A_116 = arith.constant 0 : index
      %get3A_117 = arith.constant 0 : index
      %get3A_118 = arith.constant 0 : index
      %get3A_119 = vector.load %arg3[%get3A_116, %get3A_117, %get3A_118] : memref<8x64x2048xf32, #tpu.memory_space<vmem>>, vector<1x64x2048xf32>
      %get3A_120 = vector.shape_cast %get3A_119 : vector<1x64x2048xf32> to vector<64x2048xf32>
      %dot_general3A = arith.constant dense<0.000000e+00> : vector<128x64xf32>
      %dot_general3A_121 = tpu.matmul %get3A_115, %get3A_120, %dot_general3A {dimension_numbers = #tpu.dot_dimension_numbers<[1], [1], [0], [0], [0, 0, 1, 0], [], []>, transpose_lhs_hint = false} : vector<128x2048xf32>, vector<64x2048xf32>, vector<128x64xf32> -> vector<128x64xf32>
      %get3A_122 = arith.constant 0 : index
      %get3A_123 = arith.constant 0 : index
      %get3A_124 = arith.constant 0 : index
      %get3A_125 = vector.load %arg4[%get3A_122, %get3A_123, %get3A_124] : memref<8x4096x64xf32, #tpu.memory_space<vmem>>, vector<1x4096x64xf32>
      %get3A_126 = vector.shape_cast %get3A_125 : vector<1x4096x64xf32> to vector<4096x64xf32>
      %dot_general3A_127 = arith.constant dense<0.000000e+00> : vector<128x4096xf32>
      %dot_general3A_128 = tpu.matmul %dot_general3A_121, %get3A_126, %dot_general3A_127 {dimension_numbers = #tpu.dot_dimension_numbers<[1], [1], [0], [0], [0, 0, 1, 0], [], []>, transpose_lhs_hint = false} : vector<128x64xf32>, vector<4096x64xf32>, vector<128x4096xf32> -> vector<128x4096xf32>
      %get3A_129 = arith.constant 0 : index
      %get3A_130 = arith.constant 0 : index
      %get3A_131 = vector.load %arg5[%get3A_129, %get3A_130] : memref<128x4096xf32, #tpu.memory_space<vmem>>, vector<128x4096xf32>
      %jit3A = arith.constant 0.000000e+00 : f32
      %broadcast_in_dim3A_132 = vector.shape_cast %and3A_112 : vector<128x1xi1> to vector<128x1xi1>
      %broadcast_in_dim3A_133 = vector.broadcast %broadcast_in_dim3A_132 : vector<128x1xi1> to vector<128x4096xi1>
      %broadcast_in_dim3A_134 = vector.broadcast %jit3A : f32 to vector<128x4096xf32>
      %select_n3A = arith.select %broadcast_in_dim3A_133, %dot_general3A_128, %broadcast_in_dim3A_134 : vector<128x4096xi1>, vector<128x4096xf32>
      %add3A_135 = arith.addf %get3A_131, %select_n3A : vector<128x4096xf32>
      %swap3A_136 = arith.constant 0 : index
      %swap3A_137 = arith.constant 0 : index
      %swap3A_138 = vector.load %arg5[%swap3A_136, %swap3A_137] : memref<128x4096xf32, #tpu.memory_space<vmem>>, vector<128x4096xf32>
      tpu.vector_store %arg5[%swap3A_136, %swap3A_137], %add3A_135 {strides = array<i32>} : memref<128x4096xf32, #tpu.memory_space<vmem>>, vector<128x4096xf32>,
    } else {
    }
    %get3A_13 = arith.constant 0 : index
    %get3A_14 = arith.constant 1 : index
    %get3A_15 = memref.load %arg1[%get3A_13, %get3A_14] : memref<1x16xi32, #tpu.memory_space<smem>>
    %get3A_16 = arith.constant 0 : index
    %get3A_17 = arith.constant 2 : index
    %get3A_18 = memref.load %arg1[%get3A_16, %get3A_17] : memref<1x16xi32, #tpu.memory_space<smem>>
    %gt3A_19 = arith.cmpi sgt, %get3A_18, %mul3A_0 : i32
    %add3A_20 = arith.constant 128 : i32
    %add3A_21 = arith.addi %mul3A_0, %add3A_20 : i32
    %lt3A_22 = arith.cmpi slt, %get3A_15, %add3A_21 : i32
    %and3A_23 = arith.andi %gt3A_19, %lt3A_22 : i1
    %convert_element_type3A_24 = arith.extui %and3A_23 : i1 to i32
    %cond3A_25 = arith.constant 0 : i32
    %cond3A_26 = arith.cmpi ne, %convert_element_type3A_24, %cond3A_25 : i32
    scf.if %cond3A_26 {
      %ge3A = vector.broadcast %get3A_15 : i32 to vector<128x1xi32>
      %ge3A_109 = arith.cmpi sge, %add3A_1, %ge3A : vector<128x1xi32>
      %lt3A_110 = vector.broadcast %get3A_18 : i32 to vector<128x1xi32>
      %lt3A_111 = arith.cmpi slt, %add3A_1, %lt3A_110 : vector<128x1xi32>
      %and3A_112 = arith.andi %ge3A_109, %lt3A_111 : vector<128x1xi1>
      %get3A_113 = arith.constant 0 : index
      %get3A_114 = arith.constant 0 : index
      %get3A_115 = vector.load %arg2[%get3A_113, %get3A_114] : memref<128x2048xf32, #tpu.memory_space<vmem>>, vector<128x2048xf32>
      %get3A_116 = arith.constant 1 : index
      %get3A_117 = arith.constant 0 : index
      %get3A_118 = arith.constant 0 : index
      %get3A_119 = vector.load %arg3[%get3A_116, %get3A_117, %get3A_118] : memref<8x64x2048xf32, #tpu.memory_space<vmem>>, vector<1x64x2048xf32>
      %get3A_120 = vector.shape_cast %get3A_119 : vector<1x64x2048xf32> to vector<64x2048xf32>
      %dot_general3A = arith.constant dense<0.000000e+00> : vector<128x64xf32>
      %dot_general3A_121 = tpu.matmul %get3A_115, %get3A_120, %dot_general3A {dimension_numbers = #tpu.dot_dimension_numbers<[1], [1], [0], [0], [0, 0, 1, 0], [], []>, transpose_lhs_hint = false} : vector<128x2048xf32>, vector<64x2048xf32>, vector<128x64xf32> -> vector<128x64xf32>
      %get3A_122 = arith.constant 1 : index
      %get3A_123 = arith.constant 0 : index
      %get3A_124 = arith.constant 0 : index
      %get3A_125 = vector.load %arg4[%get3A_122, %get3A_123, %get3A_124] : memref<8x4096x64xf32, #tpu.memory_space<vmem>>, vector<1x4096x64xf32>
      %get3A_126 = vector.shape_cast %get3A_125 : vector<1x4096x64xf32> to vector<4096x64xf32>
      %dot_general3A_127 = arith.constant dense<0.000000e+00> : vector<128x4096xf32>
      %dot_general3A_128 = tpu.matmul %dot_general3A_121, %get3A_126, %dot_general3A_127 {dimension_numbers = #tpu.dot_dimension_numbers<[1], [1], [0], [0], [0, 0, 1, 0], [], []>, transpose_lhs_hint = false} : vector<128x64xf32>, vector<4096x64xf32>, vector<128x4096xf32> -> vector<128x4096xf32>
      %get3A_129 = arith.constant 0 : index
      %get3A_130 = arith.constant 0 : index
      %get3A_131 = vector.load %arg5[%get3A_129, %get3A_130] : memref<128x4096xf32, #tpu.memory_space<vmem>>, vector<128x4096xf32>
      %jit3A = arith.constant 0.000000e+00 : f32
      %broadcast_in_dim3A_132 = vector.shape_cast %and3A_112 : vector<128x1xi1> to vector<128x1xi1>
      %broadcast_in_dim3A_133 = vector.broadcast %broadcast_in_dim3A_132 : vector<128x1xi1> to vector<128x4096xi1>
      %broadcast_in_dim3A_134 = vector.broadcast %jit3A : f32 to vector<128x4096xf32>
      %select_n3A = arith.select %broadcast_in_dim3A_133, %dot_general3A_128, %broadcast_in_dim3A_134 : vector<128x4096xi1>, vector<128x4096xf32>
      %add3A_135 = arith.addf %get3A_131, %select_n3A : vector<128x4096xf32>
      %swap3A_136 = arith.constant 0 : index
      %swap3A_137 = arith.constant 0 : index
      %swap3A_138 = vector.load %arg5[%swap3A_136, %swap3A_137] : memref<128x4096xf32, #tpu.memory_space<vmem>>, vector<128x4096xf32>
      tpu.vector_store %arg5[%swap3A_136, %swap3A_137], %add3A_135 {strides = array<i32>} : memref<128x4096xf32, #tpu.memory_space<vmem>>, vector<128x4096xf32>,
    } else {
    }
    %get3A_27 = arith.constant 0 : index
    %get3A_28 = arith.constant 2 : index
    %get3A_29 = memref.load %arg1[%get3A_27, %get3A_28] : memref<1x16xi32, #tpu.memory_space<smem>>
    %get3A_30 = arith.constant 0 : index
    %get3A_31 = arith.constant 3 : index
    %get3A_32 = memref.load %arg1[%get3A_30, %get3A_31] : memref<1x16xi32, #tpu.memory_space<smem>>
    %gt3A_33 = arith.cmpi sgt, %get3A_32, %mul3A_0 : i32
    %add3A_34 = arith.constant 128 : i32
    %add3A_35 = arith.addi %mul3A_0, %add3A_34 : i32
    %lt3A_36 = arith.cmpi slt, %get3A_29, %add3A_35 : i32
    %and3A_37 = arith.andi %gt3A_33, %lt3A_36 : i1
    %convert_element_type3A_38 = arith.extui %and3A_37 : i1 to i32
    %cond3A_39 = arith.constant 0 : i32
    %cond3A_40 = arith.cmpi ne, %convert_element_type3A_38, %cond3A_39 : i32
    scf.if %cond3A_40 {
      %ge3A = vector.broadcast %get3A_29 : i32 to vector<128x1xi32>
      %ge3A_109 = arith.cmpi sge, %add3A_1, %ge3A : vector<128x1xi32>
      %lt3A_110 = vector.broadcast %get3A_32 : i32 to vector<128x1xi32>
      %lt3A_111 = arith.cmpi slt, %add3A_1, %lt3A_110 : vector<128x1xi32>
      %and3A_112 = arith.andi %ge3A_109, %lt3A_111 : vector<128x1xi1>
      %get3A_113 = arith.constant 0 : index
      %get3A_114 = arith.constant 0 : index
      %get3A_115 = vector.load %arg2[%get3A_113, %get3A_114] : memref<128x2048xf32, #tpu.memory_space<vmem>>, vector<128x2048xf32>
      %get3A_116 = arith.constant 2 : index
      %get3A_117 = arith.constant 0 : index
      %get3A_118 = arith.constant 0 : index
      %get3A_119 = vector.load %arg3[%get3A_116, %get3A_117, %get3A_118] : memref<8x64x2048xf32, #tpu.memory_space<vmem>>, vector<1x64x2048xf32>
      %get3A_120 = vector.shape_cast %get3A_119 : vector<1x64x2048xf32> to vector<64x2048xf32>
      %dot_general3A = arith.constant dense<0.000000e+00> : vector<128x64xf32>
      %dot_general3A_121 = tpu.matmul %get3A_115, %get3A_120, %dot_general3A {dimension_numbers = #tpu.dot_dimension_numbers<[1], [1], [0], [0], [0, 0, 1, 0], [], []>, transpose_lhs_hint = false} : vector<128x2048xf32>, vector<64x2048xf32>, vector<128x64xf32> -> vector<128x64xf32>
      %get3A_122 = arith.constant 2 : index
      %get3A_123 = arith.constant 0 : index
      %get3A_124 = arith.constant 0 : index
      %get3A_125 = vector.load %arg4[%get3A_122, %get3A_123, %get3A_124] : memref<8x4096x64xf32, #tpu.memory_space<vmem>>, vector<1x4096x64xf32>
      %get3A_126 = vector.shape_cast %get3A_125 : vector<1x4096x64xf32> to vector<4096x64xf32>
      %dot_general3A_127 = arith.constant dense<0.000000e+00> : vector<128x4096xf32>
      %dot_general3A_128 = tpu.matmul %dot_general3A_121, %get3A_126, %dot_general3A_127 {dimension_numbers = #tpu.dot_dimension_numbers<[1], [1], [0], [0], [0, 0, 1, 0], [], []>, transpose_lhs_hint = false} : vector<128x64xf32>, vector<4096x64xf32>, vector<128x4096xf32> -> vector<128x4096xf32>
      %get3A_129 = arith.constant 0 : index
      %get3A_130 = arith.constant 0 : index
      %get3A_131 = vector.load %arg5[%get3A_129, %get3A_130] : memref<128x4096xf32, #tpu.memory_space<vmem>>, vector<128x4096xf32>
      %jit3A = arith.constant 0.000000e+00 : f32
      %broadcast_in_dim3A_132 = vector.shape_cast %and3A_112 : vector<128x1xi1> to vector<128x1xi1>
      %broadcast_in_dim3A_133 = vector.broadcast %broadcast_in_dim3A_132 : vector<128x1xi1> to vector<128x4096xi1>
      %broadcast_in_dim3A_134 = vector.broadcast %jit3A : f32 to vector<128x4096xf32>
      %select_n3A = arith.select %broadcast_in_dim3A_133, %dot_general3A_128, %broadcast_in_dim3A_134 : vector<128x4096xi1>, vector<128x4096xf32>
      %add3A_135 = arith.addf %get3A_131, %select_n3A : vector<128x4096xf32>
      %swap3A_136 = arith.constant 0 : index
      %swap3A_137 = arith.constant 0 : index
      %swap3A_138 = vector.load %arg5[%swap3A_136, %swap3A_137] : memref<128x4096xf32, #tpu.memory_space<vmem>>, vector<128x4096xf32>
      tpu.vector_store %arg5[%swap3A_136, %swap3A_137], %add3A_135 {strides = array<i32>} : memref<128x4096xf32, #tpu.memory_space<vmem>>, vector<128x4096xf32>,
    } else {
    }
    %get3A_41 = arith.constant 0 : index
    %get3A_42 = arith.constant 3 : index
    %get3A_43 = memref.load %arg1[%get3A_41, %get3A_42] : memref<1x16xi32, #tpu.memory_space<smem>>
    %get3A_44 = arith.constant 0 : index
    %get3A_45 = arith.constant 4 : index
    %get3A_46 = memref.load %arg1[%get3A_44, %get3A_45] : memref<1x16xi32, #tpu.memory_space<smem>>
    %gt3A_47 = arith.cmpi sgt, %get3A_46, %mul3A_0 : i32
    %add3A_48 = arith.constant 128 : i32
    %add3A_49 = arith.addi %mul3A_0, %add3A_48 : i32
    %lt3A_50 = arith.cmpi slt, %get3A_43, %add3A_49 : i32
    %and3A_51 = arith.andi %gt3A_47, %lt3A_50 : i1
    %convert_element_type3A_52 = arith.extui %and3A_51 : i1 to i32
    %cond3A_53 = arith.constant 0 : i32
    %cond3A_54 = arith.cmpi ne, %convert_element_type3A_52, %cond3A_53 : i32
    scf.if %cond3A_54 {
      %ge3A = vector.broadcast %get3A_43 : i32 to vector<128x1xi32>
      %ge3A_109 = arith.cmpi sge, %add3A_1, %ge3A : vector<128x1xi32>
      %lt3A_110 = vector.broadcast %get3A_46 : i32 to vector<128x1xi32>
      %lt3A_111 = arith.cmpi slt, %add3A_1, %lt3A_110 : vector<128x1xi32>
      %and3A_112 = arith.andi %ge3A_109, %lt3A_111 : vector<128x1xi1>
      %get3A_113 = arith.constant 0 : index
      %get3A_114 = arith.constant 0 : index
      %get3A_115 = vector.load %arg2[%get3A_113, %get3A_114] : memref<128x2048xf32, #tpu.memory_space<vmem>>, vector<128x2048xf32>
      %get3A_116 = arith.constant 3 : index
      %get3A_117 = arith.constant 0 : index
      %get3A_118 = arith.constant 0 : index
      %get3A_119 = vector.load %arg3[%get3A_116, %get3A_117, %get3A_118] : memref<8x64x2048xf32, #tpu.memory_space<vmem>>, vector<1x64x2048xf32>
      %get3A_120 = vector.shape_cast %get3A_119 : vector<1x64x2048xf32> to vector<64x2048xf32>
      %dot_general3A = arith.constant dense<0.000000e+00> : vector<128x64xf32>
      %dot_general3A_121 = tpu.matmul %get3A_115, %get3A_120, %dot_general3A {dimension_numbers = #tpu.dot_dimension_numbers<[1], [1], [0], [0], [0, 0, 1, 0], [], []>, transpose_lhs_hint = false} : vector<128x2048xf32>, vector<64x2048xf32>, vector<128x64xf32> -> vector<128x64xf32>
      %get3A_122 = arith.constant 3 : index
      %get3A_123 = arith.constant 0 : index
      %get3A_124 = arith.constant 0 : index
      %get3A_125 = vector.load %arg4[%get3A_122, %get3A_123, %get3A_124] : memref<8x4096x64xf32, #tpu.memory_space<vmem>>, vector<1x4096x64xf32>
      %get3A_126 = vector.shape_cast %get3A_125 : vector<1x4096x64xf32> to vector<4096x64xf32>
      %dot_general3A_127 = arith.constant dense<0.000000e+00> : vector<128x4096xf32>
      %dot_general3A_128 = tpu.matmul %dot_general3A_121, %get3A_126, %dot_general3A_127 {dimension_numbers = #tpu.dot_dimension_numbers<[1], [1], [0], [0], [0, 0, 1, 0], [], []>, transpose_lhs_hint = false} : vector<128x64xf32>, vector<4096x64xf32>, vector<128x4096xf32> -> vector<128x4096xf32>
      %get3A_129 = arith.constant 0 : index
      %get3A_130 = arith.constant 0 : index
      %get3A_131 = vector.load %arg5[%get3A_129, %get3A_130] : memref<128x4096xf32, #tpu.memory_space<vmem>>, vector<128x4096xf32>
      %jit3A = arith.constant 0.000000e+00 : f32
      %broadcast_in_dim3A_132 = vector.shape_cast %and3A_112 : vector<128x1xi1> to vector<128x1xi1>
      %broadcast_in_dim3A_133 = vector.broadcast %broadcast_in_dim3A_132 : vector<128x1xi1> to vector<128x4096xi1>
      %broadcast_in_dim3A_134 = vector.broadcast %jit3A : f32 to vector<128x4096xf32>
      %select_n3A = arith.select %broadcast_in_dim3A_133, %dot_general3A_128, %broadcast_in_dim3A_134 : vector<128x4096xi1>, vector<128x4096xf32>
      %add3A_135 = arith.addf %get3A_131, %select_n3A : vector<128x4096xf32>
      %swap3A_136 = arith.constant 0 : index
      %swap3A_137 = arith.constant 0 : index
      %swap3A_138 = vector.load %arg5[%swap3A_136, %swap3A_137] : memref<128x4096xf32, #tpu.memory_space<vmem>>, vector<128x4096xf32>
      tpu.vector_store %arg5[%swap3A_136, %swap3A_137], %add3A_135 {strides = array<i32>} : memref<128x4096xf32, #tpu.memory_space<vmem>>, vector<128x4096xf32>,
    } else {
    }
    %get3A_55 = arith.constant 0 : index
    %get3A_56 = arith.constant 4 : index
    %get3A_57 = memref.load %arg1[%get3A_55, %get3A_56] : memref<1x16xi32, #tpu.memory_space<smem>>
    %get3A_58 = arith.constant 0 : index
    %get3A_59 = arith.constant 5 : index
    %get3A_60 = memref.load %arg1[%get3A_58, %get3A_59] : memref<1x16xi32, #tpu.memory_space<smem>>
    %gt3A_61 = arith.cmpi sgt, %get3A_60, %mul3A_0 : i32
    %add3A_62 = arith.constant 128 : i32
    %add3A_63 = arith.addi %mul3A_0, %add3A_62 : i32
    %lt3A_64 = arith.cmpi slt, %get3A_57, %add3A_63 : i32
    %and3A_65 = arith.andi %gt3A_61, %lt3A_64 : i1
    %convert_element_type3A_66 = arith.extui %and3A_65 : i1 to i32
    %cond3A_67 = arith.constant 0 : i32
    %cond3A_68 = arith.cmpi ne, %convert_element_type3A_66, %cond3A_67 : i32
    scf.if %cond3A_68 {
      %ge3A = vector.broadcast %get3A_57 : i32 to vector<128x1xi32>
      %ge3A_109 = arith.cmpi sge, %add3A_1, %ge3A : vector<128x1xi32>
      %lt3A_110 = vector.broadcast %get3A_60 : i32 to vector<128x1xi32>
      %lt3A_111 = arith.cmpi slt, %add3A_1, %lt3A_110 : vector<128x1xi32>
      %and3A_112 = arith.andi %ge3A_109, %lt3A_111 : vector<128x1xi1>
      %get3A_113 = arith.constant 0 : index
      %get3A_114 = arith.constant 0 : index
      %get3A_115 = vector.load %arg2[%get3A_113, %get3A_114] : memref<128x2048xf32, #tpu.memory_space<vmem>>, vector<128x2048xf32>
      %get3A_116 = arith.constant 4 : index
      %get3A_117 = arith.constant 0 : index
      %get3A_118 = arith.constant 0 : index
      %get3A_119 = vector.load %arg3[%get3A_116, %get3A_117, %get3A_118] : memref<8x64x2048xf32, #tpu.memory_space<vmem>>, vector<1x64x2048xf32>
      %get3A_120 = vector.shape_cast %get3A_119 : vector<1x64x2048xf32> to vector<64x2048xf32>
      %dot_general3A = arith.constant dense<0.000000e+00> : vector<128x64xf32>
      %dot_general3A_121 = tpu.matmul %get3A_115, %get3A_120, %dot_general3A {dimension_numbers = #tpu.dot_dimension_numbers<[1], [1], [0], [0], [0, 0, 1, 0], [], []>, transpose_lhs_hint = false} : vector<128x2048xf32>, vector<64x2048xf32>, vector<128x64xf32> -> vector<128x64xf32>
      %get3A_122 = arith.constant 4 : index
      %get3A_123 = arith.constant 0 : index
      %get3A_124 = arith.constant 0 : index
      %get3A_125 = vector.load %arg4[%get3A_122, %get3A_123, %get3A_124] : memref<8x4096x64xf32, #tpu.memory_space<vmem>>, vector<1x4096x64xf32>
      %get3A_126 = vector.shape_cast %get3A_125 : vector<1x4096x64xf32> to vector<4096x64xf32>
      %dot_general3A_127 = arith.constant dense<0.000000e+00> : vector<128x4096xf32>
      %dot_general3A_128 = tpu.matmul %dot_general3A_121, %get3A_126, %dot_general3A_127 {dimension_numbers = #tpu.dot_dimension_numbers<[1], [1], [0], [0], [0, 0, 1, 0], [], []>, transpose_lhs_hint = false} : vector<128x64xf32>, vector<4096x64xf32>, vector<128x4096xf32> -> vector<128x4096xf32>
      %get3A_129 = arith.constant 0 : index
      %get3A_130 = arith.constant 0 : index
      %get3A_131 = vector.load %arg5[%get3A_129, %get3A_130] : memref<128x4096xf32, #tpu.memory_space<vmem>>, vector<128x4096xf32>
      %jit3A = arith.constant 0.000000e+00 : f32
      %broadcast_in_dim3A_132 = vector.shape_cast %and3A_112 : vector<128x1xi1> to vector<128x1xi1>
      %broadcast_in_dim3A_133 = vector.broadcast %broadcast_in_dim3A_132 : vector<128x1xi1> to vector<128x4096xi1>
      %broadcast_in_dim3A_134 = vector.broadcast %jit3A : f32 to vector<128x4096xf32>
      %select_n3A = arith.select %broadcast_in_dim3A_133, %dot_general3A_128, %broadcast_in_dim3A_134 : vector<128x4096xi1>, vector<128x4096xf32>
      %add3A_135 = arith.addf %get3A_131, %select_n3A : vector<128x4096xf32>
      %swap3A_136 = arith.constant 0 : index
      %swap3A_137 = arith.constant 0 : index
      %swap3A_138 = vector.load %arg5[%swap3A_136, %swap3A_137] : memref<128x4096xf32, #tpu.memory_space<vmem>>, vector<128x4096xf32>
      tpu.vector_store %arg5[%swap3A_136, %swap3A_137], %add3A_135 {strides = array<i32>} : memref<128x4096xf32, #tpu.memory_space<vmem>>, vector<128x4096xf32>,
    } else {
    }
    %get3A_69 = arith.constant 0 : index
    %get3A_70 = arith.constant 5 : index
    %get3A_71 = memref.load %arg1[%get3A_69, %get3A_70] : memref<1x16xi32, #tpu.memory_space<smem>>
    %get3A_72 = arith.constant 0 : index
    %get3A_73 = arith.constant 6 : index
    %get3A_74 = memref.load %arg1[%get3A_72, %get3A_73] : memref<1x16xi32, #tpu.memory_space<smem>>
    %gt3A_75 = arith.cmpi sgt, %get3A_74, %mul3A_0 : i32
    %add3A_76 = arith.constant 128 : i32
    %add3A_77 = arith.addi %mul3A_0, %add3A_76 : i32
    %lt3A_78 = arith.cmpi slt, %get3A_71, %add3A_77 : i32
    %and3A_79 = arith.andi %gt3A_75, %lt3A_78 : i1
    %convert_element_type3A_80 = arith.extui %and3A_79 : i1 to i32
    %cond3A_81 = arith.constant 0 : i32
    %cond3A_82 = arith.cmpi ne, %convert_element_type3A_80, %cond3A_81 : i32
    scf.if %cond3A_82 {
      %ge3A = vector.broadcast %get3A_71 : i32 to vector<128x1xi32>
      %ge3A_109 = arith.cmpi sge, %add3A_1, %ge3A : vector<128x1xi32>
      %lt3A_110 = vector.broadcast %get3A_74 : i32 to vector<128x1xi32>
      %lt3A_111 = arith.cmpi slt, %add3A_1, %lt3A_110 : vector<128x1xi32>
      %and3A_112 = arith.andi %ge3A_109, %lt3A_111 : vector<128x1xi1>
      %get3A_113 = arith.constant 0 : index
      %get3A_114 = arith.constant 0 : index
      %get3A_115 = vector.load %arg2[%get3A_113, %get3A_114] : memref<128x2048xf32, #tpu.memory_space<vmem>>, vector<128x2048xf32>
      %get3A_116 = arith.constant 5 : index
      %get3A_117 = arith.constant 0 : index
      %get3A_118 = arith.constant 0 : index
      %get3A_119 = vector.load %arg3[%get3A_116, %get3A_117, %get3A_118] : memref<8x64x2048xf32, #tpu.memory_space<vmem>>, vector<1x64x2048xf32>
      %get3A_120 = vector.shape_cast %get3A_119 : vector<1x64x2048xf32> to vector<64x2048xf32>
      %dot_general3A = arith.constant dense<0.000000e+00> : vector<128x64xf32>
      %dot_general3A_121 = tpu.matmul %get3A_115, %get3A_120, %dot_general3A {dimension_numbers = #tpu.dot_dimension_numbers<[1], [1], [0], [0], [0, 0, 1, 0], [], []>, transpose_lhs_hint = false} : vector<128x2048xf32>, vector<64x2048xf32>, vector<128x64xf32> -> vector<128x64xf32>
      %get3A_122 = arith.constant 5 : index
      %get3A_123 = arith.constant 0 : index
      %get3A_124 = arith.constant 0 : index
      %get3A_125 = vector.load %arg4[%get3A_122, %get3A_123, %get3A_124] : memref<8x4096x64xf32, #tpu.memory_space<vmem>>, vector<1x4096x64xf32>
      %get3A_126 = vector.shape_cast %get3A_125 : vector<1x4096x64xf32> to vector<4096x64xf32>
      %dot_general3A_127 = arith.constant dense<0.000000e+00> : vector<128x4096xf32>
      %dot_general3A_128 = tpu.matmul %dot_general3A_121, %get3A_126, %dot_general3A_127 {dimension_numbers = #tpu.dot_dimension_numbers<[1], [1], [0], [0], [0, 0, 1, 0], [], []>, transpose_lhs_hint = false} : vector<128x64xf32>, vector<4096x64xf32>, vector<128x4096xf32> -> vector<128x4096xf32>
      %get3A_129 = arith.constant 0 : index
      %get3A_130 = arith.constant 0 : index
      %get3A_131 = vector.load %arg5[%get3A_129, %get3A_130] : memref<128x4096xf32, #tpu.memory_space<vmem>>, vector<128x4096xf32>
      %jit3A = arith.constant 0.000000e+00 : f32
      %broadcast_in_dim3A_132 = vector.shape_cast %and3A_112 : vector<128x1xi1> to vector<128x1xi1>
      %broadcast_in_dim3A_133 = vector.broadcast %broadcast_in_dim3A_132 : vector<128x1xi1> to vector<128x4096xi1>
      %broadcast_in_dim3A_134 = vector.broadcast %jit3A : f32 to vector<128x4096xf32>
      %select_n3A = arith.select %broadcast_in_dim3A_133, %dot_general3A_128, %broadcast_in_dim3A_134 : vector<128x4096xi1>, vector<128x4096xf32>
      %add3A_135 = arith.addf %get3A_131, %select_n3A : vector<128x4096xf32>
      %swap3A_136 = arith.constant 0 : index
      %swap3A_137 = arith.constant 0 : index
      %swap3A_138 = vector.load %arg5[%swap3A_136, %swap3A_137] : memref<128x4096xf32, #tpu.memory_space<vmem>>, vector<128x4096xf32>
      tpu.vector_store %arg5[%swap3A_136, %swap3A_137], %add3A_135 {strides = array<i32>} : memref<128x4096xf32, #tpu.memory_space<vmem>>, vector<128x4096xf32>,
    } else {
    }
    %get3A_83 = arith.constant 0 : index
    %get3A_84 = arith.constant 6 : index
    %get3A_85 = memref.load %arg1[%get3A_83, %get3A_84] : memref<1x16xi32, #tpu.memory_space<smem>>
    %get3A_86 = arith.constant 0 : index
    %get3A_87 = arith.constant 7 : index
    %get3A_88 = memref.load %arg1[%get3A_86, %get3A_87] : memref<1x16xi32, #tpu.memory_space<smem>>
    %gt3A_89 = arith.cmpi sgt, %get3A_88, %mul3A_0 : i32
    %add3A_90 = arith.constant 128 : i32
    %add3A_91 = arith.addi %mul3A_0, %add3A_90 : i32
    %lt3A_92 = arith.cmpi slt, %get3A_85, %add3A_91 : i32
    %and3A_93 = arith.andi %gt3A_89, %lt3A_92 : i1
    %convert_element_type3A_94 = arith.extui %and3A_93 : i1 to i32
    %cond3A_95 = arith.constant 0 : i32
    %cond3A_96 = arith.cmpi ne, %convert_element_type3A_94, %cond3A_95 : i32
    scf.if %cond3A_96 {
      %ge3A = vector.broadcast %get3A_85 : i32 to vector<128x1xi32>
      %ge3A_109 = arith.cmpi sge, %add3A_1, %ge3A : vector<128x1xi32>
      %lt3A_110 = vector.broadcast %get3A_88 : i32 to vector<128x1xi32>
      %lt3A_111 = arith.cmpi slt, %add3A_1, %lt3A_110 : vector<128x1xi32>
      %and3A_112 = arith.andi %ge3A_109, %lt3A_111 : vector<128x1xi1>
      %get3A_113 = arith.constant 0 : index
      %get3A_114 = arith.constant 0 : index
      %get3A_115 = vector.load %arg2[%get3A_113, %get3A_114] : memref<128x2048xf32, #tpu.memory_space<vmem>>, vector<128x2048xf32>
      %get3A_116 = arith.constant 6 : index
      %get3A_117 = arith.constant 0 : index
      %get3A_118 = arith.constant 0 : index
      %get3A_119 = vector.load %arg3[%get3A_116, %get3A_117, %get3A_118] : memref<8x64x2048xf32, #tpu.memory_space<vmem>>, vector<1x64x2048xf32>
      %get3A_120 = vector.shape_cast %get3A_119 : vector<1x64x2048xf32> to vector<64x2048xf32>
      %dot_general3A = arith.constant dense<0.000000e+00> : vector<128x64xf32>
      %dot_general3A_121 = tpu.matmul %get3A_115, %get3A_120, %dot_general3A {dimension_numbers = #tpu.dot_dimension_numbers<[1], [1], [0], [0], [0, 0, 1, 0], [], []>, transpose_lhs_hint = false} : vector<128x2048xf32>, vector<64x2048xf32>, vector<128x64xf32> -> vector<128x64xf32>
      %get3A_122 = arith.constant 6 : index
      %get3A_123 = arith.constant 0 : index
      %get3A_124 = arith.constant 0 : index
      %get3A_125 = vector.load %arg4[%get3A_122, %get3A_123, %get3A_124] : memref<8x4096x64xf32, #tpu.memory_space<vmem>>, vector<1x4096x64xf32>
      %get3A_126 = vector.shape_cast %get3A_125 : vector<1x4096x64xf32> to vector<4096x64xf32>
      %dot_general3A_127 = arith.constant dense<0.000000e+00> : vector<128x4096xf32>
      %dot_general3A_128 = tpu.matmul %dot_general3A_121, %get3A_126, %dot_general3A_127 {dimension_numbers = #tpu.dot_dimension_numbers<[1], [1], [0], [0], [0, 0, 1, 0], [], []>, transpose_lhs_hint = false} : vector<128x64xf32>, vector<4096x64xf32>, vector<128x4096xf32> -> vector<128x4096xf32>
      %get3A_129 = arith.constant 0 : index
      %get3A_130 = arith.constant 0 : index
      %get3A_131 = vector.load %arg5[%get3A_129, %get3A_130] : memref<128x4096xf32, #tpu.memory_space<vmem>>, vector<128x4096xf32>
      %jit3A = arith.constant 0.000000e+00 : f32
      %broadcast_in_dim3A_132 = vector.shape_cast %and3A_112 : vector<128x1xi1> to vector<128x1xi1>
      %broadcast_in_dim3A_133 = vector.broadcast %broadcast_in_dim3A_132 : vector<128x1xi1> to vector<128x4096xi1>
      %broadcast_in_dim3A_134 = vector.broadcast %jit3A : f32 to vector<128x4096xf32>
      %select_n3A = arith.select %broadcast_in_dim3A_133, %dot_general3A_128, %broadcast_in_dim3A_134 : vector<128x4096xi1>, vector<128x4096xf32>
      %add3A_135 = arith.addf %get3A_131, %select_n3A : vector<128x4096xf32>
      %swap3A_136 = arith.constant 0 : index
      %swap3A_137 = arith.constant 0 : index
      %swap3A_138 = vector.load %arg5[%swap3A_136, %swap3A_137] : memref<128x4096xf32, #tpu.memory_space<vmem>>, vector<128x4096xf32>
      tpu.vector_store %arg5[%swap3A_136, %swap3A_137], %add3A_135 {strides = array<i32>} : memref<128x4096xf32, #tpu.memory_space<vmem>>, vector<128x4096xf32>,
    } else {
    }
    %get3A_97 = arith.constant 0 : index
    %get3A_98 = arith.constant 7 : index
    %get3A_99 = memref.load %arg1[%get3A_97, %get3A_98] : memref<1x16xi32, #tpu.memory_space<smem>>
    %lt3A_100 = arith.constant 2048 : i32
    %lt3A_101 = arith.cmpi slt, %mul3A_0, %lt3A_100 : i32
    %add3A_102 = arith.constant 128 : i32
    %add3A_103 = arith.addi %mul3A_0, %add3A_102 : i32
    %lt3A_104 = arith.cmpi slt, %get3A_99, %add3A_103 : i32
    %and3A_105 = arith.andi %lt3A_101, %lt3A_104 : i1
    %convert_element_type3A_106 = arith.extui %and3A_105 : i1 to i32
    %cond3A_107 = arith.constant 0 : i32
    %cond3A_108 = arith.cmpi ne, %convert_element_type3A_106, %cond3A_107 : i32
    scf.if %cond3A_108 {
      %ge3A = vector.broadcast %get3A_99 : i32 to vector<128x1xi32>
      %ge3A_109 = arith.cmpi sge, %add3A_1, %ge3A : vector<128x1xi32>
      %lt3A_110 = arith.constant 2048 : i32
      %lt3A_111 = vector.broadcast %lt3A_110 : i32 to vector<128x1xi32>
      %lt3A_112 = arith.cmpi slt, %add3A_1, %lt3A_111 : vector<128x1xi32>
      %and3A_113 = arith.andi %ge3A_109, %lt3A_112 : vector<128x1xi1>
      %get3A_114 = arith.constant 0 : index
      %get3A_115 = arith.constant 0 : index
      %get3A_116 = vector.load %arg2[%get3A_114, %get3A_115] : memref<128x2048xf32, #tpu.memory_space<vmem>>, vector<128x2048xf32>
      %get3A_117 = arith.constant 7 : index
      %get3A_118 = arith.constant 0 : index
      %get3A_119 = arith.constant 0 : index
      %get3A_120 = vector.load %arg3[%get3A_117, %get3A_118, %get3A_119] : memref<8x64x2048xf32, #tpu.memory_space<vmem>>, vector<1x64x2048xf32>
      %get3A_121 = vector.shape_cast %get3A_120 : vector<1x64x2048xf32> to vector<64x2048xf32>
      %dot_general3A = arith.constant dense<0.000000e+00> : vector<128x64xf32>
      %dot_general3A_122 = tpu.matmul %get3A_116, %get3A_121, %dot_general3A {dimension_numbers = #tpu.dot_dimension_numbers<[1], [1], [0], [0], [0, 0, 1, 0], [], []>, transpose_lhs_hint = false} : vector<128x2048xf32>, vector<64x2048xf32>, vector<128x64xf32> -> vector<128x64xf32>
      %get3A_123 = arith.constant 7 : index
      %get3A_124 = arith.constant 0 : index
      %get3A_125 = arith.constant 0 : index
      %get3A_126 = vector.load %arg4[%get3A_123, %get3A_124, %get3A_125] : memref<8x4096x64xf32, #tpu.memory_space<vmem>>, vector<1x4096x64xf32>
      %get3A_127 = vector.shape_cast %get3A_126 : vector<1x4096x64xf32> to vector<4096x64xf32>
      %dot_general3A_128 = arith.constant dense<0.000000e+00> : vector<128x4096xf32>
      %dot_general3A_129 = tpu.matmul %dot_general3A_122, %get3A_127, %dot_general3A_128 {dimension_numbers = #tpu.dot_dimension_numbers<[1], [1], [0], [0], [0, 0, 1, 0], [], []>, transpose_lhs_hint = false} : vector<128x64xf32>, vector<4096x64xf32>, vector<128x4096xf32> -> vector<128x4096xf32>
      %get3A_130 = arith.constant 0 : index
      %get3A_131 = arith.constant 0 : index
      %get3A_132 = vector.load %arg5[%get3A_130, %get3A_131] : memref<128x4096xf32, #tpu.memory_space<vmem>>, vector<128x4096xf32>
      %jit3A = arith.constant 0.000000e+00 : f32
      %broadcast_in_dim3A_133 = vector.shape_cast %and3A_113 : vector<128x1xi1> to vector<128x1xi1>
      %broadcast_in_dim3A_134 = vector.broadcast %broadcast_in_dim3A_133 : vector<128x1xi1> to vector<128x4096xi1>
      %broadcast_in_dim3A_135 = vector.broadcast %jit3A : f32 to vector<128x4096xf32>
      %select_n3A = arith.select %broadcast_in_dim3A_134, %dot_general3A_129, %broadcast_in_dim3A_135 : vector<128x4096xi1>, vector<128x4096xf32>
      %add3A_136 = arith.addf %get3A_132, %select_n3A : vector<128x4096xf32>
      %swap3A_137 = arith.constant 0 : index
      %swap3A_138 = arith.constant 0 : index
      %swap3A_139 = vector.load %arg5[%swap3A_137, %swap3A_138] : memref<128x4096xf32, #tpu.memory_space<vmem>>, vector<128x4096xf32>
      tpu.vector_store %arg5[%swap3A_137, %swap3A_138], %add3A_136 {strides = array<i32>} : memref<128x4096xf32, #tpu.memory_space<vmem>>, vector<128x4096xf32>,
    } else {
    }
    return
  }
  func.func @transform_0(%arg0: i32) -> (i32, i32) {
    %c0_i32 = arith.constant 0 : i32
    %c0_i32_0 = arith.constant 0 : i32
    %c0_i32_1 = arith.constant 0 : i32
    return %c0_i32, %c0_i32_0 : i32, i32
  }
  func.func @transform_1(%arg0: i32) -> (i32, i32) {
    %c0_i32 = arith.constant 0 : i32
    %c0_i32_0 = arith.constant 0 : i32
    return %arg0, %c0_i32 : i32, i32
  }
  func.func @transform_2(%arg0: i32) -> (i32, i32, i32) {
    %c0_i32 = arith.constant 0 : i32
    %c0_i32_0 = arith.constant 0 : i32
    %c0_i32_1 = arith.constant 0 : i32
    %c0_i32_2 = arith.constant 0 : i32
    return %c0_i32, %c0_i32_0, %c0_i32_1 : i32, i32, i32
  }
  func.func @transform_3(%arg0: i32) -> (i32, i32, i32) {
    %c0_i32 = arith.constant 0 : i32
    %c0_i32_0 = arith.constant 0 : i32
    %c0_i32_1 = arith.constant 0 : i32
    %c0_i32_2 = arith.constant 0 : i32
    return %c0_i32, %c0_i32_0, %c0_i32_1 : i32, i32, i32
  }
  func.func @transform_4(%arg0: i32) -> (i32, i32) {
    %c0_i32 = arith.constant 0 : i32
    %c0_i32_0 = arith.constant 0 : i32
    return %arg0, %c0_i32 : i32, i32
  }
}

module attributes {stable_mosaic.version = 14 : i64} {
  func.func @_meta_body(%arg0: memref<16x128xi32, #tpu.memory_space<vmem>>, %arg1: memref<16x128xi32, #tpu.memory_space<vmem>>, %arg2: memref<1x16xi32, #tpu.memory_space<vmem>>) attributes {dimension_semantics = [], scalar_prefetch = 0 : i64, scratch_operands = 0 : i64, tpu.core_type = #tpu.core_type<tc>} {
    %get3A = arith.constant 0 : index
    %get3A_0 = arith.constant 0 : index
    %get3A_1 = vector.load %arg0[%get3A, %get3A_0] : memref<16x128xi32, #tpu.memory_space<vmem>>, vector<16x128xi32>
    %iota3A = tpu.iota {dimensions = array<i32: 0>} : vector<128x128xi32>
    %iota3A_2 = tpu.iota {dimensions = array<i32: 1>} : vector<128x128xi32>
    %le3A = arith.cmpi sle, %iota3A, %iota3A_2 : vector<128x128xi32>
    %jit3A = arith.constant 1.000000e+00 : f32
    %jit3A_3 = arith.constant 0.000000e+00 : f32
    %broadcast_in_dim3A = vector.broadcast %jit3A : f32 to vector<128x128xf32>
    %broadcast_in_dim3A_4 = vector.broadcast %jit3A_3 : f32 to vector<128x128xf32>
    %select_n3A = arith.select %le3A, %broadcast_in_dim3A, %broadcast_in_dim3A_4 : vector<128x128xi1>, vector<128x128xf32>
    %iota3A_5 = tpu.iota {dimensions = array<i32: 0>} : vector<16x16xi32>
    %iota3A_6 = tpu.iota {dimensions = array<i32: 1>} : vector<16x16xi32>
    %lt3A = arith.cmpi slt, %iota3A_6, %iota3A_5 : vector<16x16xi32>
    %jit3A_7 = arith.constant 1.000000e+00 : f32
    %jit3A_8 = arith.constant 0.000000e+00 : f32
    %broadcast_in_dim3A_9 = vector.broadcast %jit3A_7 : f32 to vector<16x16xf32>
    %broadcast_in_dim3A_10 = vector.broadcast %jit3A_8 : f32 to vector<16x16xf32>
    %select_n3A_11 = arith.select %lt3A, %broadcast_in_dim3A_9, %broadcast_in_dim3A_10 : vector<16x16xi1>, vector<16x16xf32>
    %broadcast_in_dim3A_12 = arith.constant 1.000000e+00 : f32
    %broadcast_in_dim3A_13 = vector.broadcast %broadcast_in_dim3A_12 : f32 to vector<128x1xf32>
    %iota3A_14 = tpu.iota {dimensions = array<i32: 1>} : vector<1x16xi32>
    %broadcast_in_dim3A_15 = arith.constant 0.000000e+00 : f32
    %broadcast_in_dim3A_16 = vector.broadcast %broadcast_in_dim3A_15 : f32 to vector<16x128xf32>
    %broadcast_in_dim3A_17 = arith.constant 0.000000e+00 : f32
    %broadcast_in_dim3A_18 = vector.broadcast %broadcast_in_dim3A_17 : f32 to vector<1x16xf32>
    %eq3A = arith.constant 0 : i32
    %eq3A_19 = vector.broadcast %eq3A : i32 to vector<16x128xi32>
    %eq3A_20 = arith.cmpi eq, %get3A_1, %eq3A_19 : vector<16x128xi32>
    %jit3A_21 = arith.constant 1.000000e+00 : f32
    %jit3A_22 = arith.constant 0.000000e+00 : f32
    %broadcast_in_dim3A_23 = vector.broadcast %jit3A_21 : f32 to vector<16x128xf32>
    %broadcast_in_dim3A_24 = vector.broadcast %jit3A_22 : f32 to vector<16x128xf32>
    %select_n3A_25 = arith.select %eq3A_20, %broadcast_in_dim3A_23, %broadcast_in_dim3A_24 : vector<16x128xi1>, vector<16x128xf32>
    %dot_general3A = arith.constant dense<0.000000e+00> : vector<16x128xf32>
    %dot_general3A_26 = tpu.matmul %select_n3A_25, %select_n3A, %dot_general3A {dimension_numbers = #tpu.dot_dimension_numbers<[1], [0], [0], [1], [0, 0, 1, 1], [], []>, transpose_lhs_hint = false} : vector<16x128xf32>, vector<128x128xf32>, vector<16x128xf32> -> vector<16x128xf32>
    %dot_general3A_27 = arith.constant dense<0.000000e+00> : vector<16x128xf32>
    %dot_general3A_28 = tpu.matmul %select_n3A_11, %select_n3A_25, %dot_general3A_27 {dimension_numbers = #tpu.dot_dimension_numbers<[1], [0], [0], [1], [0, 0, 1, 1], [], []>, transpose_lhs_hint = false} : vector<16x16xf32>, vector<16x128xf32>, vector<16x128xf32> -> vector<16x128xf32>
    %dot_general3A_29 = arith.constant dense<0.000000e+00> : vector<16x1xf32>
    %dot_general3A_30 = tpu.matmul %dot_general3A_28, %broadcast_in_dim3A_13, %dot_general3A_29 {dimension_numbers = #tpu.dot_dimension_numbers<[1], [0], [0], [1], [0, 0, 1, 1], [], []>, transpose_lhs_hint = false} : vector<16x128xf32>, vector<128x1xf32>, vector<16x1xf32> -> vector<16x1xf32>
    %sub3A = arith.subf %dot_general3A_26, %select_n3A_25 : vector<16x128xf32>
    %add3A = vector.broadcast %dot_general3A_30 : vector<16x1xf32> to vector<16x128xf32>
    %add3A_31 = arith.addf %sub3A, %add3A : vector<16x128xf32>
    %eq3A_32 = arith.constant 0 : i32
    %eq3A_33 = vector.broadcast %eq3A_32 : i32 to vector<1x16xi32>
    %eq3A_34 = arith.cmpi eq, %iota3A_14, %eq3A_33 : vector<1x16xi32>
    %jit3A_35 = arith.constant 0.000000e+00 : f32
    %broadcast_in_dim3A_36 = vector.broadcast %jit3A_35 : f32 to vector<1x16xf32>
    %select_n3A_37 = arith.select %eq3A_34, %broadcast_in_dim3A_36, %broadcast_in_dim3A_18 : vector<1x16xi1>, vector<1x16xf32>
    %add3A_38 = arith.constant 0.000000e+00 : f32
    %add3A_39 = vector.broadcast %add3A_38 : f32 to vector<16x128xf32>
    %add3A_40 = arith.addf %add3A_39, %add3A_31 : vector<16x128xf32>
    %mul3A = arith.mulf %select_n3A_25, %add3A_40 : vector<16x128xf32>
    %add3A_41 = arith.addf %broadcast_in_dim3A_16, %mul3A : vector<16x128xf32>
    %reduce_sum3A = vector.shape_cast %select_n3A_25 : vector<16x128xf32> to vector<1x16x128xf32>
    %reduce_sum3A_42 = arith.constant dense<0.000000e+00> : vector<1xf32>
    %reduce_sum3A_43 = vector.multi_reduction <add>, %reduce_sum3A, %reduce_sum3A_42 [1, 2] : vector<1x16x128xf32> to vector<1xf32>
    %reduce_sum3A_44 = vector.shape_cast %reduce_sum3A_43 : vector<1xf32> to vector<1x1x1xf32>
    %reduce_sum3A_45 = vector.extract %reduce_sum3A_44[0, 0, 0] : f32 from vector<1x1x1xf32>
    %add3A_46 = arith.constant 0.000000e+00 : f32
    %add3A_47 = arith.addf %add3A_46, %reduce_sum3A_45 : f32
    %eq3A_48 = arith.constant 1 : i32
    %eq3A_49 = vector.broadcast %eq3A_48 : i32 to vector<16x128xi32>
    %eq3A_50 = arith.cmpi eq, %get3A_1, %eq3A_49 : vector<16x128xi32>
    %jit3A_51 = arith.constant 1.000000e+00 : f32
    %jit3A_52 = arith.constant 0.000000e+00 : f32
    %broadcast_in_dim3A_53 = vector.broadcast %jit3A_51 : f32 to vector<16x128xf32>
    %broadcast_in_dim3A_54 = vector.broadcast %jit3A_52 : f32 to vector<16x128xf32>
    %select_n3A_55 = arith.select %eq3A_50, %broadcast_in_dim3A_53, %broadcast_in_dim3A_54 : vector<16x128xi1>, vector<16x128xf32>
    %dot_general3A_56 = arith.constant dense<0.000000e+00> : vector<16x128xf32>
    %dot_general3A_57 = tpu.matmul %select_n3A_55, %select_n3A, %dot_general3A_56 {dimension_numbers = #tpu.dot_dimension_numbers<[1], [0], [0], [1], [0, 0, 1, 1], [], []>, transpose_lhs_hint = false} : vector<16x128xf32>, vector<128x128xf32>, vector<16x128xf32> -> vector<16x128xf32>
    %dot_general3A_58 = arith.constant dense<0.000000e+00> : vector<16x128xf32>
    %dot_general3A_59 = tpu.matmul %select_n3A_11, %select_n3A_55, %dot_general3A_58 {dimension_numbers = #tpu.dot_dimension_numbers<[1], [0], [0], [1], [0, 0, 1, 1], [], []>, transpose_lhs_hint = false} : vector<16x16xf32>, vector<16x128xf32>, vector<16x128xf32> -> vector<16x128xf32>
    %dot_general3A_60 = arith.constant dense<0.000000e+00> : vector<16x1xf32>
    %dot_general3A_61 = tpu.matmul %dot_general3A_59, %broadcast_in_dim3A_13, %dot_general3A_60 {dimension_numbers = #tpu.dot_dimension_numbers<[1], [0], [0], [1], [0, 0, 1, 1], [], []>, transpose_lhs_hint = false} : vector<16x128xf32>, vector<128x1xf32>, vector<16x1xf32> -> vector<16x1xf32>
    %sub3A_62 = arith.subf %dot_general3A_57, %select_n3A_55 : vector<16x128xf32>
    %add3A_63 = vector.broadcast %dot_general3A_61 : vector<16x1xf32> to vector<16x128xf32>
    %add3A_64 = arith.addf %sub3A_62, %add3A_63 : vector<16x128xf32>
    %eq3A_65 = arith.constant 1 : i32
    %eq3A_66 = vector.broadcast %eq3A_65 : i32 to vector<1x16xi32>
    %eq3A_67 = arith.cmpi eq, %iota3A_14, %eq3A_66 : vector<1x16xi32>
    %broadcast_in_dim3A_68 = vector.broadcast %add3A_47 : f32 to vector<1x16xf32>
    %select_n3A_69 = arith.select %eq3A_67, %broadcast_in_dim3A_68, %select_n3A_37 : vector<1x16xi1>, vector<1x16xf32>
    %add3A_70 = vector.broadcast %add3A_47 : f32 to vector<16x128xf32>
    %add3A_71 = arith.addf %add3A_70, %add3A_64 : vector<16x128xf32>
    %mul3A_72 = arith.mulf %select_n3A_55, %add3A_71 : vector<16x128xf32>
    %add3A_73 = arith.addf %add3A_41, %mul3A_72 : vector<16x128xf32>
    %reduce_sum3A_74 = vector.shape_cast %select_n3A_55 : vector<16x128xf32> to vector<1x16x128xf32>
    %reduce_sum3A_75 = arith.constant dense<0.000000e+00> : vector<1xf32>
    %reduce_sum3A_76 = vector.multi_reduction <add>, %reduce_sum3A_74, %reduce_sum3A_75 [1, 2] : vector<1x16x128xf32> to vector<1xf32>
    %reduce_sum3A_77 = vector.shape_cast %reduce_sum3A_76 : vector<1xf32> to vector<1x1x1xf32>
    %reduce_sum3A_78 = vector.extract %reduce_sum3A_77[0, 0, 0] : f32 from vector<1x1x1xf32>
    %add3A_79 = arith.addf %add3A_47, %reduce_sum3A_78 : f32
    %eq3A_80 = arith.constant 2 : i32
    %eq3A_81 = vector.broadcast %eq3A_80 : i32 to vector<16x128xi32>
    %eq3A_82 = arith.cmpi eq, %get3A_1, %eq3A_81 : vector<16x128xi32>
    %jit3A_83 = arith.constant 1.000000e+00 : f32
    %jit3A_84 = arith.constant 0.000000e+00 : f32
    %broadcast_in_dim3A_85 = vector.broadcast %jit3A_83 : f32 to vector<16x128xf32>
    %broadcast_in_dim3A_86 = vector.broadcast %jit3A_84 : f32 to vector<16x128xf32>
    %select_n3A_87 = arith.select %eq3A_82, %broadcast_in_dim3A_85, %broadcast_in_dim3A_86 : vector<16x128xi1>, vector<16x128xf32>
    %dot_general3A_88 = arith.constant dense<0.000000e+00> : vector<16x128xf32>
    %dot_general3A_89 = tpu.matmul %select_n3A_87, %select_n3A, %dot_general3A_88 {dimension_numbers = #tpu.dot_dimension_numbers<[1], [0], [0], [1], [0, 0, 1, 1], [], []>, transpose_lhs_hint = false} : vector<16x128xf32>, vector<128x128xf32>, vector<16x128xf32> -> vector<16x128xf32>
    %dot_general3A_90 = arith.constant dense<0.000000e+00> : vector<16x128xf32>
    %dot_general3A_91 = tpu.matmul %select_n3A_11, %select_n3A_87, %dot_general3A_90 {dimension_numbers = #tpu.dot_dimension_numbers<[1], [0], [0], [1], [0, 0, 1, 1], [], []>, transpose_lhs_hint = false} : vector<16x16xf32>, vector<16x128xf32>, vector<16x128xf32> -> vector<16x128xf32>
    %dot_general3A_92 = arith.constant dense<0.000000e+00> : vector<16x1xf32>
    %dot_general3A_93 = tpu.matmul %dot_general3A_91, %broadcast_in_dim3A_13, %dot_general3A_92 {dimension_numbers = #tpu.dot_dimension_numbers<[1], [0], [0], [1], [0, 0, 1, 1], [], []>, transpose_lhs_hint = false} : vector<16x128xf32>, vector<128x1xf32>, vector<16x1xf32> -> vector<16x1xf32>
    %sub3A_94 = arith.subf %dot_general3A_89, %select_n3A_87 : vector<16x128xf32>
    %add3A_95 = vector.broadcast %dot_general3A_93 : vector<16x1xf32> to vector<16x128xf32>
    %add3A_96 = arith.addf %sub3A_94, %add3A_95 : vector<16x128xf32>
    %eq3A_97 = arith.constant 2 : i32
    %eq3A_98 = vector.broadcast %eq3A_97 : i32 to vector<1x16xi32>
    %eq3A_99 = arith.cmpi eq, %iota3A_14, %eq3A_98 : vector<1x16xi32>
    %broadcast_in_dim3A_100 = vector.broadcast %add3A_79 : f32 to vector<1x16xf32>
    %select_n3A_101 = arith.select %eq3A_99, %broadcast_in_dim3A_100, %select_n3A_69 : vector<1x16xi1>, vector<1x16xf32>
    %add3A_102 = vector.broadcast %add3A_79 : f32 to vector<16x128xf32>
    %add3A_103 = arith.addf %add3A_102, %add3A_96 : vector<16x128xf32>
    %mul3A_104 = arith.mulf %select_n3A_87, %add3A_103 : vector<16x128xf32>
    %add3A_105 = arith.addf %add3A_73, %mul3A_104 : vector<16x128xf32>
    %reduce_sum3A_106 = vector.shape_cast %select_n3A_87 : vector<16x128xf32> to vector<1x16x128xf32>
    %reduce_sum3A_107 = arith.constant dense<0.000000e+00> : vector<1xf32>
    %reduce_sum3A_108 = vector.multi_reduction <add>, %reduce_sum3A_106, %reduce_sum3A_107 [1, 2] : vector<1x16x128xf32> to vector<1xf32>
    %reduce_sum3A_109 = vector.shape_cast %reduce_sum3A_108 : vector<1xf32> to vector<1x1x1xf32>
    %reduce_sum3A_110 = vector.extract %reduce_sum3A_109[0, 0, 0] : f32 from vector<1x1x1xf32>
    %add3A_111 = arith.addf %add3A_79, %reduce_sum3A_110 : f32
    %eq3A_112 = arith.constant 3 : i32
    %eq3A_113 = vector.broadcast %eq3A_112 : i32 to vector<16x128xi32>
    %eq3A_114 = arith.cmpi eq, %get3A_1, %eq3A_113 : vector<16x128xi32>
    %jit3A_115 = arith.constant 1.000000e+00 : f32
    %jit3A_116 = arith.constant 0.000000e+00 : f32
    %broadcast_in_dim3A_117 = vector.broadcast %jit3A_115 : f32 to vector<16x128xf32>
    %broadcast_in_dim3A_118 = vector.broadcast %jit3A_116 : f32 to vector<16x128xf32>
    %select_n3A_119 = arith.select %eq3A_114, %broadcast_in_dim3A_117, %broadcast_in_dim3A_118 : vector<16x128xi1>, vector<16x128xf32>
    %dot_general3A_120 = arith.constant dense<0.000000e+00> : vector<16x128xf32>
    %dot_general3A_121 = tpu.matmul %select_n3A_119, %select_n3A, %dot_general3A_120 {dimension_numbers = #tpu.dot_dimension_numbers<[1], [0], [0], [1], [0, 0, 1, 1], [], []>, transpose_lhs_hint = false} : vector<16x128xf32>, vector<128x128xf32>, vector<16x128xf32> -> vector<16x128xf32>
    %dot_general3A_122 = arith.constant dense<0.000000e+00> : vector<16x128xf32>
    %dot_general3A_123 = tpu.matmul %select_n3A_11, %select_n3A_119, %dot_general3A_122 {dimension_numbers = #tpu.dot_dimension_numbers<[1], [0], [0], [1], [0, 0, 1, 1], [], []>, transpose_lhs_hint = false} : vector<16x16xf32>, vector<16x128xf32>, vector<16x128xf32> -> vector<16x128xf32>
    %dot_general3A_124 = arith.constant dense<0.000000e+00> : vector<16x1xf32>
    %dot_general3A_125 = tpu.matmul %dot_general3A_123, %broadcast_in_dim3A_13, %dot_general3A_124 {dimension_numbers = #tpu.dot_dimension_numbers<[1], [0], [0], [1], [0, 0, 1, 1], [], []>, transpose_lhs_hint = false} : vector<16x128xf32>, vector<128x1xf32>, vector<16x1xf32> -> vector<16x1xf32>
    %sub3A_126 = arith.subf %dot_general3A_121, %select_n3A_119 : vector<16x128xf32>
    %add3A_127 = vector.broadcast %dot_general3A_125 : vector<16x1xf32> to vector<16x128xf32>
    %add3A_128 = arith.addf %sub3A_126, %add3A_127 : vector<16x128xf32>
    %eq3A_129 = arith.constant 3 : i32
    %eq3A_130 = vector.broadcast %eq3A_129 : i32 to vector<1x16xi32>
    %eq3A_131 = arith.cmpi eq, %iota3A_14, %eq3A_130 : vector<1x16xi32>
    %broadcast_in_dim3A_132 = vector.broadcast %add3A_111 : f32 to vector<1x16xf32>
    %select_n3A_133 = arith.select %eq3A_131, %broadcast_in_dim3A_132, %select_n3A_101 : vector<1x16xi1>, vector<1x16xf32>
    %add3A_134 = vector.broadcast %add3A_111 : f32 to vector<16x128xf32>
    %add3A_135 = arith.addf %add3A_134, %add3A_128 : vector<16x128xf32>
    %mul3A_136 = arith.mulf %select_n3A_119, %add3A_135 : vector<16x128xf32>
    %add3A_137 = arith.addf %add3A_105, %mul3A_136 : vector<16x128xf32>
    %reduce_sum3A_138 = vector.shape_cast %select_n3A_119 : vector<16x128xf32> to vector<1x16x128xf32>
    %reduce_sum3A_139 = arith.constant dense<0.000000e+00> : vector<1xf32>
    %reduce_sum3A_140 = vector.multi_reduction <add>, %reduce_sum3A_138, %reduce_sum3A_139 [1, 2] : vector<1x16x128xf32> to vector<1xf32>
    %reduce_sum3A_141 = vector.shape_cast %reduce_sum3A_140 : vector<1xf32> to vector<1x1x1xf32>
    %reduce_sum3A_142 = vector.extract %reduce_sum3A_141[0, 0, 0] : f32 from vector<1x1x1xf32>
    %add3A_143 = arith.addf %add3A_111, %reduce_sum3A_142 : f32
    %eq3A_144 = arith.constant 4 : i32
    %eq3A_145 = vector.broadcast %eq3A_144 : i32 to vector<16x128xi32>
    %eq3A_146 = arith.cmpi eq, %get3A_1, %eq3A_145 : vector<16x128xi32>
    %jit3A_147 = arith.constant 1.000000e+00 : f32
    %jit3A_148 = arith.constant 0.000000e+00 : f32
    %broadcast_in_dim3A_149 = vector.broadcast %jit3A_147 : f32 to vector<16x128xf32>
    %broadcast_in_dim3A_150 = vector.broadcast %jit3A_148 : f32 to vector<16x128xf32>
    %select_n3A_151 = arith.select %eq3A_146, %broadcast_in_dim3A_149, %broadcast_in_dim3A_150 : vector<16x128xi1>, vector<16x128xf32>
    %dot_general3A_152 = arith.constant dense<0.000000e+00> : vector<16x128xf32>
    %dot_general3A_153 = tpu.matmul %select_n3A_151, %select_n3A, %dot_general3A_152 {dimension_numbers = #tpu.dot_dimension_numbers<[1], [0], [0], [1], [0, 0, 1, 1], [], []>, transpose_lhs_hint = false} : vector<16x128xf32>, vector<128x128xf32>, vector<16x128xf32> -> vector<16x128xf32>
    %dot_general3A_154 = arith.constant dense<0.000000e+00> : vector<16x128xf32>
    %dot_general3A_155 = tpu.matmul %select_n3A_11, %select_n3A_151, %dot_general3A_154 {dimension_numbers = #tpu.dot_dimension_numbers<[1], [0], [0], [1], [0, 0, 1, 1], [], []>, transpose_lhs_hint = false} : vector<16x16xf32>, vector<16x128xf32>, vector<16x128xf32> -> vector<16x128xf32>
    %dot_general3A_156 = arith.constant dense<0.000000e+00> : vector<16x1xf32>
    %dot_general3A_157 = tpu.matmul %dot_general3A_155, %broadcast_in_dim3A_13, %dot_general3A_156 {dimension_numbers = #tpu.dot_dimension_numbers<[1], [0], [0], [1], [0, 0, 1, 1], [], []>, transpose_lhs_hint = false} : vector<16x128xf32>, vector<128x1xf32>, vector<16x1xf32> -> vector<16x1xf32>
    %sub3A_158 = arith.subf %dot_general3A_153, %select_n3A_151 : vector<16x128xf32>
    %add3A_159 = vector.broadcast %dot_general3A_157 : vector<16x1xf32> to vector<16x128xf32>
    %add3A_160 = arith.addf %sub3A_158, %add3A_159 : vector<16x128xf32>
    %eq3A_161 = arith.constant 4 : i32
    %eq3A_162 = vector.broadcast %eq3A_161 : i32 to vector<1x16xi32>
    %eq3A_163 = arith.cmpi eq, %iota3A_14, %eq3A_162 : vector<1x16xi32>
    %broadcast_in_dim3A_164 = vector.broadcast %add3A_143 : f32 to vector<1x16xf32>
    %select_n3A_165 = arith.select %eq3A_163, %broadcast_in_dim3A_164, %select_n3A_133 : vector<1x16xi1>, vector<1x16xf32>
    %add3A_166 = vector.broadcast %add3A_143 : f32 to vector<16x128xf32>
    %add3A_167 = arith.addf %add3A_166, %add3A_160 : vector<16x128xf32>
    %mul3A_168 = arith.mulf %select_n3A_151, %add3A_167 : vector<16x128xf32>
    %add3A_169 = arith.addf %add3A_137, %mul3A_168 : vector<16x128xf32>
    %reduce_sum3A_170 = vector.shape_cast %select_n3A_151 : vector<16x128xf32> to vector<1x16x128xf32>
    %reduce_sum3A_171 = arith.constant dense<0.000000e+00> : vector<1xf32>
    %reduce_sum3A_172 = vector.multi_reduction <add>, %reduce_sum3A_170, %reduce_sum3A_171 [1, 2] : vector<1x16x128xf32> to vector<1xf32>
    %reduce_sum3A_173 = vector.shape_cast %reduce_sum3A_172 : vector<1xf32> to vector<1x1x1xf32>
    %reduce_sum3A_174 = vector.extract %reduce_sum3A_173[0, 0, 0] : f32 from vector<1x1x1xf32>
    %add3A_175 = arith.addf %add3A_143, %reduce_sum3A_174 : f32
    %eq3A_176 = arith.constant 5 : i32
    %eq3A_177 = vector.broadcast %eq3A_176 : i32 to vector<16x128xi32>
    %eq3A_178 = arith.cmpi eq, %get3A_1, %eq3A_177 : vector<16x128xi32>
    %jit3A_179 = arith.constant 1.000000e+00 : f32
    %jit3A_180 = arith.constant 0.000000e+00 : f32
    %broadcast_in_dim3A_181 = vector.broadcast %jit3A_179 : f32 to vector<16x128xf32>
    %broadcast_in_dim3A_182 = vector.broadcast %jit3A_180 : f32 to vector<16x128xf32>
    %select_n3A_183 = arith.select %eq3A_178, %broadcast_in_dim3A_181, %broadcast_in_dim3A_182 : vector<16x128xi1>, vector<16x128xf32>
    %dot_general3A_184 = arith.constant dense<0.000000e+00> : vector<16x128xf32>
    %dot_general3A_185 = tpu.matmul %select_n3A_183, %select_n3A, %dot_general3A_184 {dimension_numbers = #tpu.dot_dimension_numbers<[1], [0], [0], [1], [0, 0, 1, 1], [], []>, transpose_lhs_hint = false} : vector<16x128xf32>, vector<128x128xf32>, vector<16x128xf32> -> vector<16x128xf32>
    %dot_general3A_186 = arith.constant dense<0.000000e+00> : vector<16x128xf32>
    %dot_general3A_187 = tpu.matmul %select_n3A_11, %select_n3A_183, %dot_general3A_186 {dimension_numbers = #tpu.dot_dimension_numbers<[1], [0], [0], [1], [0, 0, 1, 1], [], []>, transpose_lhs_hint = false} : vector<16x16xf32>, vector<16x128xf32>, vector<16x128xf32> -> vector<16x128xf32>
    %dot_general3A_188 = arith.constant dense<0.000000e+00> : vector<16x1xf32>
    %dot_general3A_189 = tpu.matmul %dot_general3A_187, %broadcast_in_dim3A_13, %dot_general3A_188 {dimension_numbers = #tpu.dot_dimension_numbers<[1], [0], [0], [1], [0, 0, 1, 1], [], []>, transpose_lhs_hint = false} : vector<16x128xf32>, vector<128x1xf32>, vector<16x1xf32> -> vector<16x1xf32>
    %sub3A_190 = arith.subf %dot_general3A_185, %select_n3A_183 : vector<16x128xf32>
    %add3A_191 = vector.broadcast %dot_general3A_189 : vector<16x1xf32> to vector<16x128xf32>
    %add3A_192 = arith.addf %sub3A_190, %add3A_191 : vector<16x128xf32>
    %eq3A_193 = arith.constant 5 : i32
    %eq3A_194 = vector.broadcast %eq3A_193 : i32 to vector<1x16xi32>
    %eq3A_195 = arith.cmpi eq, %iota3A_14, %eq3A_194 : vector<1x16xi32>
    %broadcast_in_dim3A_196 = vector.broadcast %add3A_175 : f32 to vector<1x16xf32>
    %select_n3A_197 = arith.select %eq3A_195, %broadcast_in_dim3A_196, %select_n3A_165 : vector<1x16xi1>, vector<1x16xf32>
    %add3A_198 = vector.broadcast %add3A_175 : f32 to vector<16x128xf32>
    %add3A_199 = arith.addf %add3A_198, %add3A_192 : vector<16x128xf32>
    %mul3A_200 = arith.mulf %select_n3A_183, %add3A_199 : vector<16x128xf32>
    %add3A_201 = arith.addf %add3A_169, %mul3A_200 : vector<16x128xf32>
    %reduce_sum3A_202 = vector.shape_cast %select_n3A_183 : vector<16x128xf32> to vector<1x16x128xf32>
    %reduce_sum3A_203 = arith.constant dense<0.000000e+00> : vector<1xf32>
    %reduce_sum3A_204 = vector.multi_reduction <add>, %reduce_sum3A_202, %reduce_sum3A_203 [1, 2] : vector<1x16x128xf32> to vector<1xf32>
    %reduce_sum3A_205 = vector.shape_cast %reduce_sum3A_204 : vector<1xf32> to vector<1x1x1xf32>
    %reduce_sum3A_206 = vector.extract %reduce_sum3A_205[0, 0, 0] : f32 from vector<1x1x1xf32>
    %add3A_207 = arith.addf %add3A_175, %reduce_sum3A_206 : f32
    %eq3A_208 = arith.constant 6 : i32
    %eq3A_209 = vector.broadcast %eq3A_208 : i32 to vector<16x128xi32>
    %eq3A_210 = arith.cmpi eq, %get3A_1, %eq3A_209 : vector<16x128xi32>
    %jit3A_211 = arith.constant 1.000000e+00 : f32
    %jit3A_212 = arith.constant 0.000000e+00 : f32
    %broadcast_in_dim3A_213 = vector.broadcast %jit3A_211 : f32 to vector<16x128xf32>
    %broadcast_in_dim3A_214 = vector.broadcast %jit3A_212 : f32 to vector<16x128xf32>
    %select_n3A_215 = arith.select %eq3A_210, %broadcast_in_dim3A_213, %broadcast_in_dim3A_214 : vector<16x128xi1>, vector<16x128xf32>
    %dot_general3A_216 = arith.constant dense<0.000000e+00> : vector<16x128xf32>
    %dot_general3A_217 = tpu.matmul %select_n3A_215, %select_n3A, %dot_general3A_216 {dimension_numbers = #tpu.dot_dimension_numbers<[1], [0], [0], [1], [0, 0, 1, 1], [], []>, transpose_lhs_hint = false} : vector<16x128xf32>, vector<128x128xf32>, vector<16x128xf32> -> vector<16x128xf32>
    %dot_general3A_218 = arith.constant dense<0.000000e+00> : vector<16x128xf32>
    %dot_general3A_219 = tpu.matmul %select_n3A_11, %select_n3A_215, %dot_general3A_218 {dimension_numbers = #tpu.dot_dimension_numbers<[1], [0], [0], [1], [0, 0, 1, 1], [], []>, transpose_lhs_hint = false} : vector<16x16xf32>, vector<16x128xf32>, vector<16x128xf32> -> vector<16x128xf32>
    %dot_general3A_220 = arith.constant dense<0.000000e+00> : vector<16x1xf32>
    %dot_general3A_221 = tpu.matmul %dot_general3A_219, %broadcast_in_dim3A_13, %dot_general3A_220 {dimension_numbers = #tpu.dot_dimension_numbers<[1], [0], [0], [1], [0, 0, 1, 1], [], []>, transpose_lhs_hint = false} : vector<16x128xf32>, vector<128x1xf32>, vector<16x1xf32> -> vector<16x1xf32>
    %sub3A_222 = arith.subf %dot_general3A_217, %select_n3A_215 : vector<16x128xf32>
    %add3A_223 = vector.broadcast %dot_general3A_221 : vector<16x1xf32> to vector<16x128xf32>
    %add3A_224 = arith.addf %sub3A_222, %add3A_223 : vector<16x128xf32>
    %eq3A_225 = arith.constant 6 : i32
    %eq3A_226 = vector.broadcast %eq3A_225 : i32 to vector<1x16xi32>
    %eq3A_227 = arith.cmpi eq, %iota3A_14, %eq3A_226 : vector<1x16xi32>
    %broadcast_in_dim3A_228 = vector.broadcast %add3A_207 : f32 to vector<1x16xf32>
    %select_n3A_229 = arith.select %eq3A_227, %broadcast_in_dim3A_228, %select_n3A_197 : vector<1x16xi1>, vector<1x16xf32>
    %add3A_230 = vector.broadcast %add3A_207 : f32 to vector<16x128xf32>
    %add3A_231 = arith.addf %add3A_230, %add3A_224 : vector<16x128xf32>
    %mul3A_232 = arith.mulf %select_n3A_215, %add3A_231 : vector<16x128xf32>
    %add3A_233 = arith.addf %add3A_201, %mul3A_232 : vector<16x128xf32>
    %reduce_sum3A_234 = vector.shape_cast %select_n3A_215 : vector<16x128xf32> to vector<1x16x128xf32>
    %reduce_sum3A_235 = arith.constant dense<0.000000e+00> : vector<1xf32>
    %reduce_sum3A_236 = vector.multi_reduction <add>, %reduce_sum3A_234, %reduce_sum3A_235 [1, 2] : vector<1x16x128xf32> to vector<1xf32>
    %reduce_sum3A_237 = vector.shape_cast %reduce_sum3A_236 : vector<1xf32> to vector<1x1x1xf32>
    %reduce_sum3A_238 = vector.extract %reduce_sum3A_237[0, 0, 0] : f32 from vector<1x1x1xf32>
    %add3A_239 = arith.addf %add3A_207, %reduce_sum3A_238 : f32
    %eq3A_240 = arith.constant 7 : i32
    %eq3A_241 = vector.broadcast %eq3A_240 : i32 to vector<16x128xi32>
    %eq3A_242 = arith.cmpi eq, %get3A_1, %eq3A_241 : vector<16x128xi32>
    %jit3A_243 = arith.constant 1.000000e+00 : f32
    %jit3A_244 = arith.constant 0.000000e+00 : f32
    %broadcast_in_dim3A_245 = vector.broadcast %jit3A_243 : f32 to vector<16x128xf32>
    %broadcast_in_dim3A_246 = vector.broadcast %jit3A_244 : f32 to vector<16x128xf32>
    %select_n3A_247 = arith.select %eq3A_242, %broadcast_in_dim3A_245, %broadcast_in_dim3A_246 : vector<16x128xi1>, vector<16x128xf32>
    %dot_general3A_248 = arith.constant dense<0.000000e+00> : vector<16x128xf32>
    %dot_general3A_249 = tpu.matmul %select_n3A_247, %select_n3A, %dot_general3A_248 {dimension_numbers = #tpu.dot_dimension_numbers<[1], [0], [0], [1], [0, 0, 1, 1], [], []>, transpose_lhs_hint = false} : vector<16x128xf32>, vector<128x128xf32>, vector<16x128xf32> -> vector<16x128xf32>
    %dot_general3A_250 = arith.constant dense<0.000000e+00> : vector<16x128xf32>
    %dot_general3A_251 = tpu.matmul %select_n3A_11, %select_n3A_247, %dot_general3A_250 {dimension_numbers = #tpu.dot_dimension_numbers<[1], [0], [0], [1], [0, 0, 1, 1], [], []>, transpose_lhs_hint = false} : vector<16x16xf32>, vector<16x128xf32>, vector<16x128xf32> -> vector<16x128xf32>
    %dot_general3A_252 = arith.constant dense<0.000000e+00> : vector<16x1xf32>
    %dot_general3A_253 = tpu.matmul %dot_general3A_251, %broadcast_in_dim3A_13, %dot_general3A_252 {dimension_numbers = #tpu.dot_dimension_numbers<[1], [0], [0], [1], [0, 0, 1, 1], [], []>, transpose_lhs_hint = false} : vector<16x128xf32>, vector<128x1xf32>, vector<16x1xf32> -> vector<16x1xf32>
    %sub3A_254 = arith.subf %dot_general3A_249, %select_n3A_247 : vector<16x128xf32>
    %add3A_255 = vector.broadcast %dot_general3A_253 : vector<16x1xf32> to vector<16x128xf32>
    %add3A_256 = arith.addf %sub3A_254, %add3A_255 : vector<16x128xf32>
    %eq3A_257 = arith.constant 7 : i32
    %eq3A_258 = vector.broadcast %eq3A_257 : i32 to vector<1x16xi32>
    %eq3A_259 = arith.cmpi eq, %iota3A_14, %eq3A_258 : vector<1x16xi32>
    %broadcast_in_dim3A_260 = vector.broadcast %add3A_239 : f32 to vector<1x16xf32>
    %select_n3A_261 = arith.select %eq3A_259, %broadcast_in_dim3A_260, %select_n3A_229 : vector<1x16xi1>, vector<1x16xf32>
    %add3A_262 = vector.broadcast %add3A_239 : f32 to vector<16x128xf32>
    %add3A_263 = arith.addf %add3A_262, %add3A_256 : vector<16x128xf32>
    %mul3A_264 = arith.mulf %select_n3A_247, %add3A_263 : vector<16x128xf32>
    %add3A_265 = arith.addf %add3A_233, %mul3A_264 : vector<16x128xf32>
    %reduce_sum3A_266 = vector.shape_cast %select_n3A_247 : vector<16x128xf32> to vector<1x16x128xf32>
    %reduce_sum3A_267 = arith.constant dense<0.000000e+00> : vector<1xf32>
    %reduce_sum3A_268 = vector.multi_reduction <add>, %reduce_sum3A_266, %reduce_sum3A_267 [1, 2] : vector<1x16x128xf32> to vector<1xf32>
    %reduce_sum3A_269 = vector.shape_cast %reduce_sum3A_268 : vector<1xf32> to vector<1x1x1xf32>
    %reduce_sum3A_270 = vector.extract %reduce_sum3A_269[0, 0, 0] : f32 from vector<1x1x1xf32>
    %add3A_271 = arith.addf %add3A_239, %reduce_sum3A_270 : f32
    %ge3A = arith.constant 8 : i32
    %ge3A_272 = vector.broadcast %ge3A : i32 to vector<1x16xi32>
    %ge3A_273 = arith.cmpi sge, %iota3A_14, %ge3A_272 : vector<1x16xi32>
    %broadcast_in_dim3A_274 = vector.broadcast %add3A_271 : f32 to vector<1x16xf32>
    %select_n3A_275 = arith.select %ge3A_273, %broadcast_in_dim3A_274, %select_n3A_261 : vector<1x16xi1>, vector<1x16xf32>
    %convert_element_type3A = arith.fptosi %add3A_265 : vector<16x128xf32> to vector<16x128xi32>
    %swap3A = arith.constant 0 : index
    %swap3A_276 = arith.constant 0 : index
    %swap3A_277 = vector.load %arg1[%swap3A, %swap3A_276] : memref<16x128xi32, #tpu.memory_space<vmem>>, vector<16x128xi32>
    tpu.vector_store %arg1[%swap3A, %swap3A_276], %convert_element_type3A {strides = array<i32>} : memref<16x128xi32, #tpu.memory_space<vmem>>, vector<16x128xi32>,
    %convert_element_type3A_278 = arith.fptosi %select_n3A_275 : vector<1x16xf32> to vector<1x16xi32>
    %swap3A_279 = arith.constant 0 : index
    %swap3A_280 = arith.constant 0 : index
    %swap3A_281 = vector.load %arg2[%swap3A_279, %swap3A_280] : memref<1x16xi32, #tpu.memory_space<vmem>>, vector<1x16xi32>
    tpu.vector_store %arg2[%swap3A_279, %swap3A_280], %convert_element_type3A_278 {strides = array<i32>} : memref<1x16xi32, #tpu.memory_space<vmem>>, vector<1x16xi32>,
    return
  }
}

</mosaic_0001>

<sc_bundles>
// kernel: kernel.6.cloned.1.call-start
scs
__scs_entry_jumppad:
0x0: {  	(pc) =	sbr.rel $0x88, $3  }
0x1: {  	(tag) =	ssettag $0x0;
	lr =	simm.s32 $0x1  }
0x2: {  	[smem:$0x3F9D] =	sst lr;
	_ =	strace $0xD0000000  }
0x3: {  	_ = 	snop  }
0x4: {  	_ = 	snop  }
0x5: {  	_ = 	snop  }
0x6: {  	_ = 	snop  }
0x7: {  	_ = 	snop  }
__scs_overlays_trampoline_lowered:
0x8: {  	[smem:$0x3FAC] =	sst s0  }
0x9: {  	[smem:$0x3FAD] =	sst s1  }
0xa: {  	[smem:$0x3FAE] =	sst s2  }
0xb: {  	[smem:$0x3FAF] =	sst s3  }
0xc: {  	[smem:$0x3FB0] =	sst s4  }
0xd: {  	[smem:$0x3FB1] =	sst s5  }
0xe: {  	[smem:$0x3FB2] =	sst s6  }
0xf: {  	[smem:$0x3FB3] =	sst s7  }
0x10: {  	[smem:$0x3FB4] =	sst s8  }
0x11: {  	[smem:$0x3FB5] =	sst s9;
	s0 =	simm.s32 @!p0 $0x0  }
0x12: {  	s1 =	sld [smem:$0x3F9B];
	s0 =	simm.s32 @p0 $0x1  }
0x13: {  	[smem:$0x3FB6] =	sst s0;
	s0 =	simm.s32 @!p1 $0x0  }
0x14: {  	s2 =	sld [smem:$0x3F9A];
	s0 =	simm.s32 @p1 $0x1  }
0x15: {  	[smem:$0x3FB7] =	sst s0;
	s0 =	simm.s32 @!p2 $0x0  }
0x16: {  	s3 =	sld [smem:$0x3FDB];
	s0 =	simm.s32 @p2 $0x1  }
0x17: {  	s4 =	simm.s32 $0x1BF5;
	[smem:$0x3FB9] =	sst s0  }
0x18: {  	s0 =	sld [smem:$0x3F9C];
	_ =	swait.ge [sflag:s4], $0x0  }
0x19: {  	s7 =	sld [smem:$0x3F9D]  }
0x1a: {  	s8 =	sadd.s32 $0xFFFFE003, lr  }
0x1b: {  	s9 =	sadd.s32 $0xFFFFFEF7, lr;
	s5 =	simm.s32 $0xFFFFFFFF;
	p2 =	slt.u32 s8, $0xFFFFF086  }
0x1c: {  	p1 =	slt.u32 s9, $0xF7A;
	s5 =	simm.s32 @!p2 $0x0  }
0x1d: {  	s5 =	simm.s32 @p1 $0x1;
	p0 =	seq.s32 s7, s2  }
0x1e: {  	s7 =	smul.u32 @!p0 $0xF7A, s2;
	p2 =	seq.s32 @!p0 s5, $0x0  }
0x1f: {  	s9 =	smul.u32 $0xF7A, s1;
	s8 =	simm.s32 @!p0 $0x1BF5;
	p2 =	por !p2, p0  }
0x20: {  	[sflag:s8] =	ssyncset.s32 @!p0 $0xFFFFF086;
	s6 =	sadd.s32 @!p0 s3, s7;
	s7 =	simm.s32 @!p0 $0x108  }
0x21: {  	s3 =	sadd.s32 s3, s9;
	s6 =	sadd.s32 @!p0 $0x88, s6;
	s7 =	simm.s32 @p2 $0x1082  }
0x22: {  	[simem:s7], [sflag:s8] =	dma.local @!p0 [hbm:s6], $0xF7A  }
0x23: {  	s9 =	sor.u32 $0xD0000000, s2;
	s6 =	simm.s32 $0x108;
	_ =	swait.ge @!p0 [sflag:s8], $0x0  }
0x24: {  	s3 =	sadd.s32 $0x88, s3;
	s6 =	simm.s32 @!p1 $0x1082;
	[sflag:s4] =	ssyncset.s32 $0xFFFFF086  }
0x25: {  	[simem:s6], [sflag:s4] =	dma.local [hbm:s3], $0xF7A  }
0x26: {  	[smem:$0x3F9D] =	sst s1;
	(tag) =	ssettag s2;
	_ =	strace s9  }
0x27: {  	s1 =	sld [smem:$0x3FAD]  }
0x28: {  	s2 =	sld [smem:$0x3FAE]  }
0x29: {  	s4 =	sld [smem:$0x3FB0]  }
0x2a: {  	p0 =	seq.s32 s5, $0x0;
	s5 =	sld [smem:$0x3FB1]  }
0x2b: {  	s6 =	sld [smem:$0x3FB2]  }
0x2c: {  	s7 =	sld [smem:$0x3FB3]  }
0x2d: {  	s3 =	simm.s32 $0x108;
	s8 =	sld [smem:$0x3FB4]  }
0x2e: {  	s3 =	simm.s32 @!p0 $0x1082;
	s9 =	sld [smem:$0x3FB5]  }
0x2f: {  	lr =	sadd.s32 s0, s3;
	s0 =	sld [smem:$0x3FAC]  }
0x30: {  	s3 =	sld [smem:$0x3FAF]  }
0x31: {  	[smem:$0x3FB8] =	sst s10  }
0x32: {  	s10 =	sld [smem:$0x3FB6];
	_ =	sdelay $0x3  }
0x33: {  	p0 =	seq.s32 s10, $0x1;
	s10 =	sld [smem:$0x3FB8];
	_ =	sdelay $0x3  }
0x34: {  	[smem:$0x3FB8] =	sst s10  }
0x35: {  	s10 =	sld [smem:$0x3FB7];
	_ =	sdelay $0x3  }
0x36: {  	p1 =	seq.s32 s10, $0x1;
	s10 =	sld [smem:$0x3FB8];
	_ =	sdelay $0x3  }
0x37: {  	[smem:$0x3FB8] =	sst s10  }
0x38: {  	s10 =	sld [smem:$0x3FB9]  }
0x39: {  	_ = 	snop;
	(pc) =	sbr.ind lr, $3  }
0x3a: {  	_ = 	snop  }
0x3b: {  	_ = 	snop  }
0x3c: {  	p2 =	seq.s32 s10, $0x1;
	s10 =	sld [smem:$0x3FB8]  }
0x3d: {  	_ =	shalt  }
0x3e: {  	_ =	shalt  }
0x3f: {  	_ =	shalt  }
0x40: {  	_ =	shalt  }
0x41: {  	_ =	shalt  }
0x42: {  	_ =	shalt  }
0x43: {  	_ =	shalt  }
0x44: {  	_ =	shalt  }
0x45: {  	_ =	shalt  }
0x46: {  	_ =	shalt  }
0x47: {  	_ =	shalt  }
0x48: {  	_ =	shalt  }
0x49: {  	_ =	shalt  }
0x4a: {  	_ =	shalt  }
0x4b: {  	_ =	shalt  }
0x4c: {  	_ =	shalt  }
0x4d: {  	_ =	shalt  }
0x4e: {  	_ =	shalt  }
0x4f: {  	_ =	shalt  }
0x50: {  	_ =	shalt  }
0x51: {  	_ =	shalt  }
0x52: {  	_ =	shalt  }
0x53: {  	_ =	shalt  }
0x54: {  	_ =	shalt  }
0x55: {  	_ =	shalt  }
0x56: {  	_ =	shalt  }
0x57: {  	_ =	shalt  }
0x58: {  	_ =	shalt  }
0x59: {  	_ =	shalt  }
0x5a: {  	_ =	shalt  }
0x5b: {  	_ =	shalt  }
0x5c: {  	_ =	shalt  }
0x5d: {  	_ =	shalt  }
0x5e: {  	_ =	shalt  }
0x5f: {  	_ =	shalt  }
0x60: {  	_ =	shalt  }
0x61: {  	_ =	shalt  }
0x62: {  	_ =	shalt  }
0x63: {  	_ =	shalt  }
0x64: {  	_ =	shalt  }
0x65: {  	_ =	shalt  }
0x66: {  	_ =	shalt  }
0x67: {  	_ =	shalt  }
0x68: {  	_ =	shalt  }
0x69: {  	_ =	shalt  }
0x6a: {  	_ =	shalt  }
0x6b: {  	_ =	shalt  }
0x6c: {  	_ =	shalt  }
0x6d: {  	_ =	shalt  }
0x6e: {  	_ =	shalt  }
0x6f: {  	_ =	shalt  }
0x70: {  	_ =	shalt  }
0x71: {  	_ =	shalt  }
0x72: {  	_ =	shalt  }
0x73: {  	_ =	shalt  }
0x74: {  	_ =	shalt  }
0x75: {  	_ =	shalt  }
0x76: {  	_ =	shalt  }
0x77: {  	_ =	shalt  }
0x78: {  	_ =	shalt  }
0x79: {  	_ =	shalt  }
0x7a: {  	_ =	shalt  }
0x7b: {  	_ =	shalt  }
0x7c: {  	_ =	shalt  }
0x7d: {  	_ =	shalt  }
0x7e: {  	_ =	shalt  }
0x7f: {  	_ =	shalt  }
0x80: {  	_ =	shalt  }
0x81: {  	_ =	shalt  }
0x82: {  	_ =	shalt  }
0x83: {  	_ =	shalt  }
0x84: {  	_ =	shalt  }
0x85: {  	_ =	shalt  }
0x86: {  	_ =	shalt  }
0x87: {  	_ =	shalt  }
.Lfunc_end0:
.L_simem_size_0:
called_computation_lowered:
.L_overlay_start_0:
0x88: {  	s2 =	sld [smem:$0x3FD9]  }
0x89: {  	s3 =	sld [smem:$0x3FFE];
	_ =	sdelay $0x1  }
0x8a: {  	s1 =	srdreg.scid  }
0x8b: {  	s0 =	sand.u32 $0x1, s1  }
0x8c: {  	s17 =	sshll.u32 s0, $0xA;
	s2 =	sadd.s32 s3, s2  }
0x8d: {  	s2 =	sadd.s32 s2, s17  }
0x8e: {  	[smem:$0x3FC4] =	sst s2  }
0x8f: {  	_ = 	snop  }
0x90: {  	s2 =	sld [smem:$0x3FC9];
	(tm) =	ssettm $0x1  }
0x91: {  	s18 =	sld [smem:$0x3FFB];
	_ =	sdelay $0x3  }
0x92: {  	_ =	strace s18  }
0x93: {  	s3 =	sld [smem:$0x3FFC];
	_ =	sdelay $0x3  }
0x94: {  	_ =	strace s3  }
0x95: {  	s3 =	sld [smem:$0x3FFD];
	_ =	sdelay $0x3  }
0x96: {  	_ =	strace s3  }
0x97: {  	_ =	strace $0x8FFFFFFF  }
0x98: {  	s19 =	sld [smem:$0x3FDB];
	_ =	sdelay $0x1  }
0x99: {  	s4 =	simm.s32 $_scs_section_size  }
0x9a: {  	s5 =	simm.s32 $_size__tile_overlayer_lowered;
	s6 =	simm.s32 $_tile_overlayer_lowered  }
0x9b: {  	s22 =	simm.s32 $0x1BFF;
	s21 =	sshll.u32 s6, $0x1;
	s3 =	sadd.s32 s4, s19  }
0x9c: {  	s7 =	simm.s32 $0x0;
	s20 =	sshll.u32 s5, $0x1;
	s5 =	sadd.s32 s21, s3  }
0x9d: {  	[timem:s7], [sflag:s22] =	dma.local [hbm:s5], s20  }
0x9e: {  	_ =	swait.ge [sflag:s22], s20  }
0x9f: {  	s4 =	ssub.s32 $0x0, s20;
	[sflag:s22] =	ssyncset.done $0x0  }
0xa0: {  	[sflag:s22] =	ssyncadd.s32 s4;
	_ =	sdelay $0x1  }
0xa1: {  	s23 =	simm.s32 $0x1B8B  }
0xa2: {  	_ =	swait.ge [sflag:s23], $0x1  }
0xa3: {  	[sflag:s23] =	ssyncset.done $0x0  }
0xa4: {  	s25 =	simm.s32 $0x1B8E;
	s24 =	sld [smem:$0x3FFE];
	[sflag:s23] =	ssyncadd.s32 $0xFFFFFFFF  }
0xa5: {  	s26 =	simm.s32 $execute0_lowered;
	[smem:$0x3FD2] =	sst s25  }
0xa6: {  	s5 =	sshll.u32 s26, $0x1;
	_ =	strace $0x80000046;
	[dreg:$0x1] =	wrdreg $0xFFFFFFFF  }
0xa7: {  	s28 =	simm.s32 $_size_execute0_lowered;
	s3 =	sadd.s32 s3, s5;
	[dreg:$0x0] =	wrdreg $0x0  }
0xa8: {  	s5 =	sshll.u32 s28, $0x1;
	[dreg:$0x2] =	wrdreg s3  }
0xa9: {  	[dreg:$0x3] =	wrdreg s5  }
0xaa: {  	[dreg:$0x4] =	wrdreg $0xC0  }
0xab: {  	_ =	task [dreg:s7], $0x5FFFF  }
0xac: {  	[dreg:$0x1] =	wrdreg $0xFFFFFFFF  }
0xad: {  	[dreg:$0x0] =	wrdreg $0x60  }
0xae: {  	[dreg:$0x2] =	wrdreg s24  }
0xaf: {  	[dreg:$0x3] =	wrdreg s2  }
0xb0: {  	[dreg:$0x4] =	wrdreg $0x9  }
0xb1: {  	_ =	task.clear_ibuf [dreg:s7], $0x5FFFF;
	_ =	strace $0x90000046  }
0xb2: {  	s29 =	simm.s32 $0x9;
	_ =	strace $0x80000048  }
0xb3: {  	_ =	swait.ge [sflag:s29], $0x1  }
0xb4: {  	[sflag:s29] =	ssyncadd.s32 $0xFFFFFFFF  }
0xb5: {  	_ =	strace $0x90000048  }
0xb6: {  	_ =	sfence  }
0xb7: {  	s30 =	sld [smem:$0x0];
	_ =	sdelay $0x2  }
0xb8: {  	s31 =	sshll.u32 s1, $0xD;
	s1 =	sshrl.u32 s1, $0x2  }
0xb9: {  	s3 =	sand.u32 $0x4000, s31;
	s1 =	sadd.s32 s1, s30  }
0xba: {  	s0 =	sor.u32 s3, s0;
	s1 =	sshll.u32 s1, $0x11  }
0xbb: {  	s0 =	sor.u32 s1, s0  }
0xbc: {  	s0 =	sadd.s32 $0x8F2B, s0  }
0xbd: {  	[sflag:s0] =	ssyncadd.remote.s32 $0x1  }
0xbe: {  	_ =	sfence.sel $0xFFFF  }
0xbf: {  	[dreg:$0x0] =	wrdreg $0xFFFFFFFF;
	(pc) =	sbr.abs _section_cstart, $3  }
0xc0: {  	[dreg:$0x1] =	wrdreg $0xFFFFFFFF  }
0xc1: {  	_ =	task.clear_ibuf [dreg:s7], $0x2FFFF;
	_ =	strace $0x9FFFFFFF  }
0xc2: {  	(tm) =	ssettm $0x7FFFFFFF  }
0xc3: {  	_ =	shalt  }
tec
execute0_lowered:
.L_overlay_start_1:
0x0: {  	(tag) =	ssettag $0x1  }
0x1: {  	s0 =	rddreg [dreg:$0x0]  }
0x2: {  	s1 =	rddreg [dreg:$0x1]  }
0x3: {  	s2 =	srdreg.scid;
	s4 =	stileid.u32  }
0x4: {  	s13 =	simm.s32 $0x3;
	s28 =	simm.s32 $0x1;
	s29 =	simm.s32 $0x2  }
0x5: {  	s31 =	simm.s32 $0x80;
	s14 =	simm.s32 $0x880;
	s15 =	simm.s32 $0x1880  }
0x6: {  	s16 =	simm.s32 $0x2080;
	s17 =	simm.s32 $0x2880;
	s18 =	simm.s32 $0x3080  }
0x7: {  	s19 =	simm.s32 $0x3880;
	s20 =	simm.s32 $0x4880;
	s21 =	simm.s32 $0x5080  }
0x8: {  	s22 =	simm.s32 $0x5880;
	s23 =	simm.s32 $0x6080;
	s24 =	simm.s32 $0x6880  }
0x9: {  	s25 =	simm.s32 $0x7080;
	s3 =	sand.u32 $0x1, s2;
	s2 =	simm.s32 $0x0  }
0xa: {  	s4 =	sshll.u32 s4, $0x7;
	s8 =	sadd.s32 $0x1A00, s0;
	s9 =	sadd.s32 $0x1B00, s0  }
0xb: {  	s10 =	sadd.s32 $0x1C00, s0;
	s11 =	sadd.s32 $0x1D00, s0;
	s5 =	sshll.u32 s3, $0x6  }
0xc: {  	[smem:$0x7FF] =	sst s2;
	s6 =	ssub.s32 $0x2, s3;
	s3 =	sadd.s32 $0x1600, s0  }
0xd: {  	s4 =	sor.u32 s5, s4;
	_ =	strace $0x80000047;
	s7 =	sshrl.u32 s6, $0x1  }
0xe: {  	s5 =	sshrl.u32 s4, $0x3;
	s12 =	ssub.s32 s6, s7;
	s4 =	sshll.u32 s4, $0x8  }
0xf: {  	s6 =	sadd.s32 $0x1800, s0;
	s5 =	sadd.s32 s5, s0;
	s4 =	sadd.s32 s1, s4  }
0x10: {  	s7 =	sadd.s32 $0x1900, s0;
	s5 =	sadd.s32 $0x1400, s5;
	[dreg:$0x7] =	wrdreg s4  }
0x11: {  	s12 =	smax.u32 s12, $0x1;
	s1 =	sadd.s32 $0x1000, s4;
	[dreg:$0x3] =	wrdreg s5  }
0x12: {  	v2 =	vlaneseq.u32;
	s26 =	sadd.s32 $0x2000, s4;
	s30 =	sadd.s32 $0x3000, s4;
	[dreg:$0x4] =	wrdreg s1  }
0x13: {  	vm0 =	vmmov $0xffff;
	v1 =	vshrl.u32 v2, $0x3;
	s4 =	simm.s32 $0x4080;
	s5 =	sadd.s32 $0x1700, s0;
	[dreg:$0x5] =	wrdreg s26  }
0x14: {  	v0 =	vand.u32 $0x7, v2;
	v2 =	vor.u32 $0x8, v2;
	v1 =	vmul.u32 $0x8, v1;
	[dreg:$0x6] =	wrdreg s30;
	s1 =	simm.s32 $0x1080;
	s26 =	simm.s32 $0x7880  }
.LBB2_1:
0x15: {  	s30 =	rddreg [dreg:$0x3]  }
0x16: {  	[tilespmem:s2], [sflag:$0x3] =	stream.linear.gather [hbm4b:s30+s2], $0x40, $0x38;
	[tilespmem:$0x10080] =	vst v63  }
0x17: {  	_ =	swait.ge [sflag:s13], $0x40  }
0x18: {  	[sflag:s13] =	ssyncset.done $0x0  }
0x19: {  	s0 =	rddreg [dreg:$0x7];
	[sflag:s13] =	ssyncadd.s32 $0xFFFFFFC0  }
0x1a: {  	[tilespmem:s31], [sflag:$0x3] =	stream.linear.gather [hbm4b:s0+s2], $0x8000, $0x38;
	[tilespmem:$0x10080] =	vst v63  }
0x1b: {  	_ =	swait.ge [sflag:s13], $0x8000  }
0x1c: {  	[sflag:s13] =	ssyncset.done $0x0  }
0x1d: {  	[sflag:s13] =	ssyncadd.s32 $0xFFFF8000  }
0x1e: {  	v3 =	vld [tilespmem:$0x0];
	_ =	sdelay $0x4  }
0x1f: {  	v4 =	vshll.u32 v3, $0x4  }
0x20: {  	v3 =	vand.u32 $0x7, v3;
	v4 =	vand.u32 $0xFFFFFF80, v4  }
0x21: {  	v3 =	vor.u32 v3, v4  }
0x22: {  	v4 =	vperm.xlane v3, v0;
	_ =	sdelay $0x1  }
0x23: {  	v4 =	vadd.s32 v1, v4;
	_ =	sdelay $0x4  }
0x24: {  	[hbm4b:s3+s2] =	stream.indirect_vreg.scatter [tilespmem:s31], [sflag:$0x1], $0x80, v4, vm0, $0xb8;
	[tilespmem:$0x10080] =	vst v63  }
0x25: {  	_ = 	snop  }
0x26: {  	[hbm4b:s5+s2] =	stream.indirect_vreg.scatter [tilespmem:s14], [sflag:$0x1], $0x80, v4, vm0, $0xb8;
	[tilespmem:$0x10080] =	vst v63  }
0x27: {  	_ = 	snop  }
0x28: {  	[hbm4b:s6+s2] =	stream.indirect_vreg.scatter [tilespmem:s1], [sflag:$0x1], $0x80, v4, vm0, $0xb8;
	[tilespmem:$0x10080] =	vst v63  }
0x29: {  	_ = 	snop  }
0x2a: {  	[hbm4b:s7+s2] =	stream.indirect_vreg.scatter [tilespmem:s15], [sflag:$0x1], $0x80, v4, vm0, $0xb8;
	[tilespmem:$0x10080] =	vst v63  }
0x2b: {  	_ = 	snop  }
0x2c: {  	[hbm4b:s8+s2] =	stream.indirect_vreg.scatter [tilespmem:s16], [sflag:$0x1], $0x80, v4, vm0, $0xb8;
	[tilespmem:$0x10080] =	vst v63  }
0x2d: {  	v3 =	vperm.xlane v3, v2  }
0x2e: {  	[hbm4b:s9+s2] =	stream.indirect_vreg.scatter [tilespmem:s17], [sflag:$0x1], $0x80, v4, vm0, $0xb8;
	[tilespmem:$0x10080] =	vst v63  }
0x2f: {  	v3 =	vadd.s32 v1, v3  }
0x30: {  	[hbm4b:s10+s2] =	stream.indirect_vreg.scatter [tilespmem:s18], [sflag:$0x1], $0x80, v4, vm0, $0xb8;
	[tilespmem:$0x10080] =	vst v63  }
0x31: {  	_ = 	snop  }
0x32: {  	[hbm4b:s11+s2] =	stream.indirect_vreg.scatter [tilespmem:s19], [sflag:$0x1], $0x80, v4, vm0, $0xb8;
	[tilespmem:$0x10080] =	vst v63  }
0x33: {  	_ = 	snop  }
0x34: {  	[hbm4b:s3+s2] =	stream.indirect_vreg.scatter [tilespmem:s4], [sflag:$0x1], $0x80, v3, vm0, $0xb8;
	[tilespmem:$0x10080] =	vst v63  }
0x35: {  	_ = 	snop  }
0x36: {  	[hbm4b:s5+s2] =	stream.indirect_vreg.scatter [tilespmem:s20], [sflag:$0x1], $0x80, v3, vm0, $0xb8;
	[tilespmem:$0x10080] =	vst v63  }
0x37: {  	_ = 	snop  }
0x38: {  	[hbm4b:s6+s2] =	stream.indirect_vreg.scatter [tilespmem:s21], [sflag:$0x1], $0x80, v3, vm0, $0xb8;
	[tilespmem:$0x10080] =	vst v63  }
0x39: {  	_ = 	snop  }
0x3a: {  	[hbm4b:s7+s2] =	stream.indirect_vreg.scatter [tilespmem:s22], [sflag:$0x1], $0x80, v3, vm0, $0xb8;
	[tilespmem:$0x10080] =	vst v63  }
0x3b: {  	_ = 	snop  }
0x3c: {  	[hbm4b:s8+s2] =	stream.indirect_vreg.scatter [tilespmem:s23], [sflag:$0x1], $0x80, v3, vm0, $0xb8;
	[tilespmem:$0x10080] =	vst v63  }
0x3d: {  	_ = 	snop  }
0x3e: {  	[hbm4b:s9+s2] =	stream.indirect_vreg.scatter [tilespmem:s24], [sflag:$0x1], $0x80, v3, vm0, $0xb8;
	[tilespmem:$0x10080] =	vst v63  }
0x3f: {  	_ = 	snop  }
0x40: {  	[hbm4b:s10+s2] =	stream.indirect_vreg.scatter [tilespmem:s25], [sflag:$0x1], $0x80, v3, vm0, $0xb8;
	[tilespmem:$0x10080] =	vst v63  }
0x41: {  	_ = 	snop  }
0x42: {  	[hbm4b:s11+s2] =	stream.indirect_vreg.scatter [tilespmem:s26], [sflag:$0x1], $0x80, v3, vm0, $0xb8;
	[tilespmem:$0x10080] =	vst v63  }
0x43: {  	s0 =	simm.s32 $0x8080;
	s30 =	rddreg [dreg:$0x4]  }
0x44: {  	[tilespmem:s0], [sflag:$0x3] =	stream.linear.gather [hbm4b:s30+s2], $0x8000, $0x38;
	[tilespmem:$0x10080] =	vst v63  }
0x45: {  	_ =	swait.ge [sflag:s13], $0x8000  }
0x46: {  	[sflag:s13] =	ssyncset.done $0x0  }
0x47: {  	[sflag:s13] =	ssyncadd.s32 $0xFFFF8000  }
0x48: {  	v3 =	vld [tilespmem:$0x10];
	_ =	sdelay $0x4  }
0x49: {  	v61 =	vshll.u32 v3, $0x4  }
0x4a: {  	v3 =	vand.u32 $0x7, v3;
	v4 =	vand.u32 $0xFFFFFF80, v61  }
0x4b: {  	v3 =	vor.u32 v3, v4  }
0x4c: {  	v4 =	vperm.xlane v3, v0;
	_ =	sdelay $0x1  }
0x4d: {  	v4 =	vadd.s32 v1, v4;
	_ =	sdelay $0x4  }
0x4e: {  	[hbm4b:s3+s2] =	stream.indirect_vreg.scatter [tilespmem:s0], [sflag:$0x2], $0x80, v4, vm0, $0xb8;
	[tilespmem:$0x10080] =	vst v63  }
0x4f: {  	s30 =	simm.s32 $0x8880  }
0x50: {  	[hbm4b:s5+s2] =	stream.indirect_vreg.scatter [tilespmem:s30], [sflag:$0x2], $0x80, v4, vm0, $0xb8;
	[tilespmem:$0x10080] =	vst v63  }
0x51: {  	s30 =	simm.s32 $0x9080  }
0x52: {  	[hbm4b:s6+s2] =	stream.indirect_vreg.scatter [tilespmem:s30], [sflag:$0x2], $0x80, v4, vm0, $0xb8;
	[tilespmem:$0x10080] =	vst v63  }
0x53: {  	s30 =	simm.s32 $0x9880  }
0x54: {  	[hbm4b:s7+s2] =	stream.indirect_vreg.scatter [tilespmem:s30], [sflag:$0x2], $0x80, v4, vm0, $0xb8;
	[tilespmem:$0x10080] =	vst v63  }
0x55: {  	s30 =	simm.s32 $0xA080  }
0x56: {  	[hbm4b:s8+s2] =	stream.indirect_vreg.scatter [tilespmem:s30], [sflag:$0x2], $0x80, v4, vm0, $0xb8;
	[tilespmem:$0x10080] =	vst v63  }
0x57: {  	v3 =	vperm.xlane v3, v2;
	s30 =	simm.s32 $0xA880  }
0x58: {  	[hbm4b:s9+s2] =	stream.indirect_vreg.scatter [tilespmem:s30], [sflag:$0x2], $0x80, v4, vm0, $0xb8;
	[tilespmem:$0x10080] =	vst v63  }
0x59: {  	v3 =	vadd.s32 v1, v3;
	s30 =	simm.s32 $0xB080  }
0x5a: {  	[hbm4b:s10+s2] =	stream.indirect_vreg.scatter [tilespmem:s30], [sflag:$0x2], $0x80, v4, vm0, $0xb8;
	[tilespmem:$0x10080] =	vst v63  }
0x5b: {  	s30 =	simm.s32 $0xB880  }
0x5c: {  	[hbm4b:s11+s2] =	stream.indirect_vreg.scatter [tilespmem:s30], [sflag:$0x2], $0x80, v4, vm0, $0xb8;
	[tilespmem:$0x10080] =	vst v63  }
0x5d: {  	s30 =	simm.s32 $0xC080  }
0x5e: {  	[hbm4b:s3+s2] =	stream.indirect_vreg.scatter [tilespmem:s30], [sflag:$0x2], $0x80, v3, vm0, $0xb8;
	[tilespmem:$0x10080] =	vst v63  }
0x5f: {  	s30 =	simm.s32 $0xC880  }
0x60: {  	[hbm4b:s5+s2] =	stream.indirect_vreg.scatter [tilespmem:s30], [sflag:$0x2], $0x80, v3, vm0, $0xb8;
	[tilespmem:$0x10080] =	vst v63  }
0x61: {  	s30 =	simm.s32 $0xD080  }
0x62: {  	[hbm4b:s6+s2] =	stream.indirect_vreg.scatter [tilespmem:s30], [sflag:$0x2], $0x80, v3, vm0, $0xb8;
	[tilespmem:$0x10080] =	vst v63  }
0x63: {  	s30 =	simm.s32 $0xD880  }
0x64: {  	[hbm4b:s7+s2] =	stream.indirect_vreg.scatter [tilespmem:s30], [sflag:$0x2], $0x80, v3, vm0, $0xb8;
	[tilespmem:$0x10080] =	vst v63  }
0x65: {  	s30 =	simm.s32 $0xE080  }
0x66: {  	[hbm4b:s8+s2] =	stream.indirect_vreg.scatter [tilespmem:s30], [sflag:$0x2], $0x80, v3, vm0, $0xb8;
	[tilespmem:$0x10080] =	vst v63  }
0x67: {  	s30 =	simm.s32 $0xE880  }
0x68: {  	[hbm4b:s9+s2] =	stream.indirect_vreg.scatter [tilespmem:s30], [sflag:$0x2], $0x80, v3, vm0, $0xb8;
	[tilespmem:$0x10080] =	vst v63  }
0x69: {  	s30 =	simm.s32 $0xF080  }
0x6a: {  	[hbm4b:s10+s2] =	stream.indirect_vreg.scatter [tilespmem:s30], [sflag:$0x2], $0x80, v3, vm0, $0xb8;
	[tilespmem:$0x10080] =	vst v63  }
0x6b: {  	s30 =	simm.s32 $0xF880  }
0x6c: {  	[hbm4b:s11+s2] =	stream.indirect_vreg.scatter [tilespmem:s30], [sflag:$0x2], $0x80, v3, vm0, $0xb8;
	[tilespmem:$0x10080] =	vst v63  }
0x6d: {  	_ =	swait.ge [sflag:s28], $0x8000  }
0x6e: {  	[sflag:s28] =	ssyncset.done $0x0  }
0x6f: {  	s30 =	rddreg [dreg:$0x5];
	[sflag:s28] =	ssyncadd.s32 $0xFFFF8000  }
0x70: {  	[tilespmem:s31], [sflag:$0x3] =	stream.linear.gather [hbm4b:s30+s2], $0x8000, $0x38;
	[tilespmem:$0x10080] =	vst v63  }
0x71: {  	_ =	swait.ge [sflag:s13], $0x8000  }
0x72: {  	[sflag:s13] =	ssyncset.done $0x0  }
0x73: {  	[sflag:s13] =	ssyncadd.s32 $0xFFFF8000  }
0x74: {  	v3 =	vld [tilespmem:$0x20];
	_ =	sdelay $0x4  }
0x75: {  	v62 =	vshll.u32 v3, $0x4  }
0x76: {  	v3 =	vand.u32 $0x7, v3;
	v4 =	vand.u32 $0xFFFFFF80, v62  }
0x77: {  	v3 =	vor.u32 v3, v4  }
0x78: {  	v4 =	vperm.xlane v3, v0;
	_ =	sdelay $0x1  }
0x79: {  	v4 =	vadd.s32 v1, v4;
	_ =	sdelay $0x4  }
0x7a: {  	[hbm4b:s3+s2] =	stream.indirect_vreg.scatter [tilespmem:s31], [sflag:$0x1], $0x80, v4, vm0, $0xb8;
	[tilespmem:$0x10080] =	vst v63  }
0x7b: {  	_ = 	snop  }
0x7c: {  	[hbm4b:s5+s2] =	stream.indirect_vreg.scatter [tilespmem:s14], [sflag:$0x1], $0x80, v4, vm0, $0xb8;
	[tilespmem:$0x10080] =	vst v63  }
0x7d: {  	_ = 	snop  }
0x7e: {  	[hbm4b:s6+s2] =	stream.indirect_vreg.scatter [tilespmem:s1], [sflag:$0x1], $0x80, v4, vm0, $0xb8;
	[tilespmem:$0x10080] =	vst v63  }
0x7f: {  	_ = 	snop  }
0x80: {  	[hbm4b:s7+s2] =	stream.indirect_vreg.scatter [tilespmem:s15], [sflag:$0x1], $0x80, v4, vm0, $0xb8;
	[tilespmem:$0x10080] =	vst v63  }
0x81: {  	_ = 	snop  }
0x82: {  	[hbm4b:s8+s2] =	stream.indirect_vreg.scatter [tilespmem:s16], [sflag:$0x1], $0x80, v4, vm0, $0xb8;
	[tilespmem:$0x10080] =	vst v63  }
0x83: {  	v3 =	vperm.xlane v3, v2  }
0x84: {  	[hbm4b:s9+s2] =	stream.indirect_vreg.scatter [tilespmem:s17], [sflag:$0x1], $0x80, v4, vm0, $0xb8;
	[tilespmem:$0x10080] =	vst v63  }
0x85: {  	v3 =	vadd.s32 v1, v3  }
0x86: {  	[hbm4b:s10+s2] =	stream.indirect_vreg.scatter [tilespmem:s18], [sflag:$0x1], $0x80, v4, vm0, $0xb8;
	[tilespmem:$0x10080] =	vst v63  }
0x87: {  	_ = 	snop  }
0x88: {  	[hbm4b:s11+s2] =	stream.indirect_vreg.scatter [tilespmem:s19], [sflag:$0x1], $0x80, v4, vm0, $0xb8;
	[tilespmem:$0x10080] =	vst v63  }
0x89: {  	_ = 	snop  }
0x8a: {  	[hbm4b:s3+s2] =	stream.indirect_vreg.scatter [tilespmem:s4], [sflag:$0x1], $0x80, v3, vm0, $0xb8;
	[tilespmem:$0x10080] =	vst v63  }
0x8b: {  	_ = 	snop  }
0x8c: {  	[hbm4b:s5+s2] =	stream.indirect_vreg.scatter [tilespmem:s20], [sflag:$0x1], $0x80, v3, vm0, $0xb8;
	[tilespmem:$0x10080] =	vst v63  }
0x8d: {  	_ = 	snop  }
0x8e: {  	[hbm4b:s6+s2] =	stream.indirect_vreg.scatter [tilespmem:s21], [sflag:$0x1], $0x80, v3, vm0, $0xb8;
	[tilespmem:$0x10080] =	vst v63  }
0x8f: {  	_ = 	snop  }
0x90: {  	[hbm4b:s7+s2] =	stream.indirect_vreg.scatter [tilespmem:s22], [sflag:$0x1], $0x80, v3, vm0, $0xb8;
	[tilespmem:$0x10080] =	vst v63  }
0x91: {  	_ = 	snop  }
0x92: {  	[hbm4b:s8+s2] =	stream.indirect_vreg.scatter [tilespmem:s23], [sflag:$0x1], $0x80, v3, vm0, $0xb8;
	[tilespmem:$0x10080] =	vst v63  }
0x93: {  	_ = 	snop  }
0x94: {  	[hbm4b:s9+s2] =	stream.indirect_vreg.scatter [tilespmem:s24], [sflag:$0x1], $0x80, v3, vm0, $0xb8;
	[tilespmem:$0x10080] =	vst v63  }
0x95: {  	_ = 	snop  }
0x96: {  	[hbm4b:s10+s2] =	stream.indirect_vreg.scatter [tilespmem:s25], [sflag:$0x1], $0x80, v3, vm0, $0xb8;
	[tilespmem:$0x10080] =	vst v63  }
0x97: {  	_ = 	snop  }
0x98: {  	[hbm4b:s11+s2] =	stream.indirect_vreg.scatter [tilespmem:s26], [sflag:$0x1], $0x80, v3, vm0, $0xb8;
	[tilespmem:$0x10080] =	vst v63  }
0x99: {  	_ =	swait.ge [sflag:s29], $0x8000  }
0x9a: {  	[sflag:s29] =	ssyncset.done $0x0  }
0x9b: {  	s30 =	rddreg [dreg:$0x6];
	[sflag:s29] =	ssyncadd.s32 $0xFFFF8000  }
0x9c: {  	[tilespmem:s0], [sflag:$0x3] =	stream.linear.gather [hbm4b:s30+s2], $0x8000, $0x38;
	[tilespmem:$0x10080] =	vst v63  }
0x9d: {  	_ =	swait.ge [sflag:s13], $0x8000  }
0x9e: {  	[sflag:s13] =	ssyncset.done $0x0  }
0x9f: {  	[sflag:s13] =	ssyncadd.s32 $0xFFFF8000  }
0xa0: {  	v3 =	vld [tilespmem:$0x30];
	_ =	sdelay $0x4  }
0xa1: {  	v63 =	vshll.u32 v3, $0x4  }
0xa2: {  	v3 =	vand.u32 $0x7, v3;
	v4 =	vand.u32 $0xFFFFFF80, v63  }
0xa3: {  	v3 =	vor.u32 v3, v4  }
0xa4: {  	v4 =	vperm.xlane v3, v0;
	_ =	sdelay $0x1  }
0xa5: {  	v4 =	vadd.s32 v1, v4;
	_ =	sdelay $0x4  }
0xa6: {  	[hbm4b:s3+s2] =	stream.indirect_vreg.scatter [tilespmem:s0], [sflag:$0x2], $0x80, v4, vm0, $0xb8;
	[tilespmem:$0x10080] =	vst v63  }
0xa7: {  	s30 =	simm.s32 $0x8880  }
0xa8: {  	[hbm4b:s5+s2] =	stream.indirect_vreg.scatter [tilespmem:s30], [sflag:$0x2], $0x80, v4, vm0, $0xb8;
	[tilespmem:$0x10080] =	vst v63  }
0xa9: {  	s30 =	simm.s32 $0x9080  }
0xaa: {  	[hbm4b:s6+s2] =	stream.indirect_vreg.scatter [tilespmem:s30], [sflag:$0x2], $0x80, v4, vm0, $0xb8;
	[tilespmem:$0x10080] =	vst v63  }
0xab: {  	s30 =	simm.s32 $0x9880  }
0xac: {  	[hbm4b:s7+s2] =	stream.indirect_vreg.scatter [tilespmem:s30], [sflag:$0x2], $0x80, v4, vm0, $0xb8;
	[tilespmem:$0x10080] =	vst v63  }
0xad: {  	s30 =	simm.s32 $0xA080  }
0xae: {  	[hbm4b:s8+s2] =	stream.indirect_vreg.scatter [tilespmem:s30], [sflag:$0x2], $0x80, v4, vm0, $0xb8;
	[tilespmem:$0x10080] =	vst v63  }
0xaf: {  	v3 =	vperm.xlane v3, v2;
	s30 =	simm.s32 $0xA880  }
0xb0: {  	[hbm4b:s9+s2] =	stream.indirect_vreg.scatter [tilespmem:s30], [sflag:$0x2], $0x80, v4, vm0, $0xb8;
	[tilespmem:$0x10080] =	vst v63  }
0xb1: {  	v3 =	vadd.s32 v1, v3;
	s30 =	simm.s32 $0xB080  }
0xb2: {  	[hbm4b:s10+s2] =	stream.indirect_vreg.scatter [tilespmem:s30], [sflag:$0x2], $0x80, v4, vm0, $0xb8;
	[tilespmem:$0x10080] =	vst v63  }
0xb3: {  	s30 =	simm.s32 $0xB880  }
0xb4: {  	[hbm4b:s11+s2] =	stream.indirect_vreg.scatter [tilespmem:s30], [sflag:$0x2], $0x80, v4, vm0, $0xb8;
	[tilespmem:$0x10080] =	vst v63  }
0xb5: {  	s30 =	simm.s32 $0xC080  }
0xb6: {  	[hbm4b:s3+s2] =	stream.indirect_vreg.scatter [tilespmem:s30], [sflag:$0x2], $0x80, v3, vm0, $0xb8;
	[tilespmem:$0x10080] =	vst v63  }
0xb7: {  	s30 =	simm.s32 $0xC880  }
0xb8: {  	[hbm4b:s5+s2] =	stream.indirect_vreg.scatter [tilespmem:s30], [sflag:$0x2], $0x80, v3, vm0, $0xb8;
	[tilespmem:$0x10080] =	vst v63  }
0xb9: {  	s30 =	simm.s32 $0xD080  }
0xba: {  	[hbm4b:s6+s2] =	stream.indirect_vreg.scatter [tilespmem:s30], [sflag:$0x2], $0x80, v3, vm0, $0xb8;
	[tilespmem:$0x10080] =	vst v63  }
0xbb: {  	s30 =	simm.s32 $0xD880  }
0xbc: {  	[hbm4b:s7+s2] =	stream.indirect_vreg.scatter [tilespmem:s30], [sflag:$0x2], $0x80, v3, vm0, $0xb8;
	[tilespmem:$0x10080] =	vst v63  }
0xbd: {  	s30 =	simm.s32 $0xE080  }
0xbe: {  	[hbm4b:s8+s2] =	stream.indirect_vreg.scatter [tilespmem:s30], [sflag:$0x2], $0x80, v3, vm0, $0xb8;
	[tilespmem:$0x10080] =	vst v63  }
0xbf: {  	s30 =	simm.s32 $0xE880  }
0xc0: {  	[hbm4b:s9+s2] =	stream.indirect_vreg.scatter [tilespmem:s30], [sflag:$0x2], $0x80, v3, vm0, $0xb8;
	[tilespmem:$0x10080] =	vst v63  }
0xc1: {  	s30 =	simm.s32 $0xF080  }
0xc2: {  	[hbm4b:s10+s2] =	stream.indirect_vreg.scatter [tilespmem:s30], [sflag:$0x2], $0x80, v3, vm0, $0xb8;
	[tilespmem:$0x10080] =	vst v63  }
0xc3: {  	s30 =	simm.s32 $0xF880  }
0xc4: {  	[hbm4b:s11+s2] =	stream.indirect_vreg.scatter [tilespmem:s30], [sflag:$0x2], $0x80, v3, vm0, $0xb8;
	[tilespmem:$0x10080] =	vst v63  }
0xc5: {  	p0 =	sne.s32 s12, $0x1;
	_ =	swait.ge [sflag:s28], $0x8000  }
.Ltmp0:
0xc6: {  	[sflag:s28] =	ssyncset.done $0x0;
	(pc) =	sbr.rel @p0 .LBB2_1-.Ltmp0, $4  }
0xc7: {  	[sflag:s28] =	ssyncadd.s32 $0xFFFF8000  }
0xc8: {  	_ =	swait.ge [sflag:s29], $0x8000  }
0xc9: {  	[sflag:s29] =	ssyncset.done $0x0  }
0xca: {  	s12 =	sadd.s32 $0xFFFFFFFF, s12;
	[sflag:s29] =	ssyncadd.s32 $0xFFFF8000  }
0xcb: {  	_ =	sfence.sel $0x180000  }
0xcc: {  	[bflag:$0x0] =	sbarrier.arrive $0xFFFF  }
0xcd: {  	_ =	strace $0x90000047  }
0xce: {  	s0 =	stileid.u32;
	[bflag:$0x2] =	sbarrier.arrive $0xFFFF  }
0xcf: {  	p0 =	sne.s32 s0, $0x0;
	s0 =	rddreg [dreg:$0x2]  }
0xd0: {  	s0 =	sadd.s32 @!p0 $0x100000, s0  }
0xd1: {  	[sflag:s0] =	ssyncadd.tile.s32 @!p0 $0x1;
	_ =	shalt  }
.Lfunc_end2:
_tile_overlayer_lowered:
.L_overlay_start_2:
0xd2: {  	(tag) =	ssettag $0x2  }
0xd3: {  	s0 =	rddreg [dreg:$0x0];
	s2 =	stileid.u32  }
0xd4: {  	s1 =	rddreg [dreg:$0x1];
	p0 =	sne.s32 s2, $0x0  }
0xd5: {  	s3 =	rddreg [dreg:$0x2];
	[bflag:$0x3] =	sbarrier.arrive $0xFFFF;
	s2 =	simm.s32 @!p0 $0x1C03  }
0xd6: {  	[timem:s3], [sflag:s2] =	dma.local @!p0 [hbm:s0], s1  }
0xd7: {  	s0 =	simm.s32 @!p0 $0x3  }
0xd8: {  	_ =	swait.ge @!p0 [sflag:s0], s1  }
0xd9: {  	s1 =	ssub.s32 @!p0 $0x0, s1;
	[sflag:s0] =	ssyncset.done @!p0 $0x0  }
0xda: {  	[sflag:s0] =	ssyncadd.s32 @!p0 s1  }
0xdb: {  	[bflag:$0x3] =	sbarrier.arrive $0xFFFF  }
0xdc: {  	_ =	shalt  }

// kernel: kernel.9.cloned.1.call-start
scs
__scs_entry_jumppad:
0x0: {  	(pc) =	sbr.rel $0x88, $3  }
0x1: {  	(tag) =	ssettag $0x0;
	lr =	simm.s32 $0x1  }
0x2: {  	[smem:$0x3F9D] =	sst lr;
	_ =	strace $0xD0000000  }
0x3: {  	_ = 	snop  }
0x4: {  	_ = 	snop  }
0x5: {  	_ = 	snop  }
0x6: {  	_ = 	snop  }
0x7: {  	_ = 	snop  }
__scs_overlays_trampoline_lowered:
0x8: {  	[smem:$0x3FAC] =	sst s0  }
0x9: {  	[smem:$0x3FAD] =	sst s1  }
0xa: {  	[smem:$0x3FAE] =	sst s2  }
0xb: {  	[smem:$0x3FAF] =	sst s3  }
0xc: {  	[smem:$0x3FB0] =	sst s4  }
0xd: {  	[smem:$0x3FB1] =	sst s5  }
0xe: {  	[smem:$0x3FB2] =	sst s6  }
0xf: {  	[smem:$0x3FB3] =	sst s7  }
0x10: {  	[smem:$0x3FB4] =	sst s8  }
0x11: {  	[smem:$0x3FB5] =	sst s9;
	s0 =	simm.s32 @!p0 $0x0  }
0x12: {  	s1 =	sld [smem:$0x3F9B];
	s0 =	simm.s32 @p0 $0x1  }
0x13: {  	[smem:$0x3FB6] =	sst s0;
	s0 =	simm.s32 @!p1 $0x0  }
0x14: {  	s2 =	sld [smem:$0x3F9A];
	s0 =	simm.s32 @p1 $0x1  }
0x15: {  	[smem:$0x3FB7] =	sst s0;
	s0 =	simm.s32 @!p2 $0x0  }
0x16: {  	s3 =	sld [smem:$0x3FDB];
	s0 =	simm.s32 @p2 $0x1  }
0x17: {  	s4 =	simm.s32 $0x1BF5;
	[smem:$0x3FB9] =	sst s0  }
0x18: {  	s0 =	sld [smem:$0x3F9C];
	_ =	swait.ge [sflag:s4], $0x0  }
0x19: {  	s7 =	sld [smem:$0x3F9D]  }
0x1a: {  	s8 =	sadd.s32 $0xFFFFE003, lr  }
0x1b: {  	s9 =	sadd.s32 $0xFFFFFEF7, lr;
	s5 =	simm.s32 $0xFFFFFFFF;
	p2 =	slt.u32 s8, $0xFFFFF086  }
0x1c: {  	p1 =	slt.u32 s9, $0xF7A;
	s5 =	simm.s32 @!p2 $0x0  }
0x1d: {  	s5 =	simm.s32 @p1 $0x1;
	p0 =	seq.s32 s7, s2  }
0x1e: {  	s7 =	smul.u32 @!p0 $0xF7A, s2;
	p2 =	seq.s32 @!p0 s5, $0x0  }
0x1f: {  	s9 =	smul.u32 $0xF7A, s1;
	s8 =	simm.s32 @!p0 $0x1BF5;
	p2 =	por !p2, p0  }
0x20: {  	[sflag:s8] =	ssyncset.s32 @!p0 $0xFFFFF086;
	s6 =	sadd.s32 @!p0 s3, s7;
	s7 =	simm.s32 @!p0 $0x108  }
0x21: {  	s3 =	sadd.s32 s3, s9;
	s6 =	sadd.s32 @!p0 $0x88, s6;
	s7 =	simm.s32 @p2 $0x1082  }
0x22: {  	[simem:s7], [sflag:s8] =	dma.local @!p0 [hbm:s6], $0xF7A  }
0x23: {  	s9 =	sor.u32 $0xD0000000, s2;
	s6 =	simm.s32 $0x108;
	_ =	swait.ge @!p0 [sflag:s8], $0x0  }
0x24: {  	s3 =	sadd.s32 $0x88, s3;
	s6 =	simm.s32 @!p1 $0x1082;
	[sflag:s4] =	ssyncset.s32 $0xFFFFF086  }
0x25: {  	[simem:s6], [sflag:s4] =	dma.local [hbm:s3], $0xF7A  }
0x26: {  	[smem:$0x3F9D] =	sst s1;
	(tag) =	ssettag s2;
	_ =	strace s9  }
0x27: {  	s1 =	sld [smem:$0x3FAD]  }
0x28: {  	s2 =	sld [smem:$0x3FAE]  }
0x29: {  	s4 =	sld [smem:$0x3FB0]  }
0x2a: {  	p0 =	seq.s32 s5, $0x0;
	s5 =	sld [smem:$0x3FB1]  }
0x2b: {  	s6 =	sld [smem:$0x3FB2]  }
0x2c: {  	s7 =	sld [smem:$0x3FB3]  }
0x2d: {  	s3 =	simm.s32 $0x108;
	s8 =	sld [smem:$0x3FB4]  }
0x2e: {  	s3 =	simm.s32 @!p0 $0x1082;
	s9 =	sld [smem:$0x3FB5]  }
0x2f: {  	lr =	sadd.s32 s0, s3;
	s0 =	sld [smem:$0x3FAC]  }
0x30: {  	s3 =	sld [smem:$0x3FAF]  }
0x31: {  	[smem:$0x3FB8] =	sst s10  }
0x32: {  	s10 =	sld [smem:$0x3FB6];
	_ =	sdelay $0x3  }
0x33: {  	p0 =	seq.s32 s10, $0x1;
	s10 =	sld [smem:$0x3FB8];
	_ =	sdelay $0x3  }
0x34: {  	[smem:$0x3FB8] =	sst s10  }
0x35: {  	s10 =	sld [smem:$0x3FB7];
	_ =	sdelay $0x3  }
0x36: {  	p1 =	seq.s32 s10, $0x1;
	s10 =	sld [smem:$0x3FB8];
	_ =	sdelay $0x3  }
0x37: {  	[smem:$0x3FB8] =	sst s10  }
0x38: {  	s10 =	sld [smem:$0x3FB9]  }
0x39: {  	_ = 	snop;
	(pc) =	sbr.ind lr, $3  }
0x3a: {  	_ = 	snop  }
0x3b: {  	_ = 	snop  }
0x3c: {  	p2 =	seq.s32 s10, $0x1;
	s10 =	sld [smem:$0x3FB8]  }
0x3d: {  	_ =	shalt  }
0x3e: {  	_ =	shalt  }
0x3f: {  	_ =	shalt  }
0x40: {  	_ =	shalt  }
0x41: {  	_ =	shalt  }
0x42: {  	_ =	shalt  }
0x43: {  	_ =	shalt  }
0x44: {  	_ =	shalt  }
0x45: {  	_ =	shalt  }
0x46: {  	_ =	shalt  }
0x47: {  	_ =	shalt  }
0x48: {  	_ =	shalt  }
0x49: {  	_ =	shalt  }
0x4a: {  	_ =	shalt  }
0x4b: {  	_ =	shalt  }
0x4c: {  	_ =	shalt  }
0x4d: {  	_ =	shalt  }
0x4e: {  	_ =	shalt  }
0x4f: {  	_ =	shalt  }
0x50: {  	_ =	shalt  }
0x51: {  	_ =	shalt  }
0x52: {  	_ =	shalt  }
0x53: {  	_ =	shalt  }
0x54: {  	_ =	shalt  }
0x55: {  	_ =	shalt  }
0x56: {  	_ =	shalt  }
0x57: {  	_ =	shalt  }
0x58: {  	_ =	shalt  }
0x59: {  	_ =	shalt  }
0x5a: {  	_ =	shalt  }
0x5b: {  	_ =	shalt  }
0x5c: {  	_ =	shalt  }
0x5d: {  	_ =	shalt  }
0x5e: {  	_ =	shalt  }
0x5f: {  	_ =	shalt  }
0x60: {  	_ =	shalt  }
0x61: {  	_ =	shalt  }
0x62: {  	_ =	shalt  }
0x63: {  	_ =	shalt  }
0x64: {  	_ =	shalt  }
0x65: {  	_ =	shalt  }
0x66: {  	_ =	shalt  }
0x67: {  	_ =	shalt  }
0x68: {  	_ =	shalt  }
0x69: {  	_ =	shalt  }
0x6a: {  	_ =	shalt  }
0x6b: {  	_ =	shalt  }
0x6c: {  	_ =	shalt  }
0x6d: {  	_ =	shalt  }
0x6e: {  	_ =	shalt  }
0x6f: {  	_ =	shalt  }
0x70: {  	_ =	shalt  }
0x71: {  	_ =	shalt  }
0x72: {  	_ =	shalt  }
0x73: {  	_ =	shalt  }
0x74: {  	_ =	shalt  }
0x75: {  	_ =	shalt  }
0x76: {  	_ =	shalt  }
0x77: {  	_ =	shalt  }
0x78: {  	_ =	shalt  }
0x79: {  	_ =	shalt  }
0x7a: {  	_ =	shalt  }
0x7b: {  	_ =	shalt  }
0x7c: {  	_ =	shalt  }
0x7d: {  	_ =	shalt  }
0x7e: {  	_ =	shalt  }
0x7f: {  	_ =	shalt  }
0x80: {  	_ =	shalt  }
0x81: {  	_ =	shalt  }
0x82: {  	_ =	shalt  }
0x83: {  	_ =	shalt  }
0x84: {  	_ =	shalt  }
0x85: {  	_ =	shalt  }
0x86: {  	_ =	shalt  }
0x87: {  	_ =	shalt  }
.Lfunc_end0:
.L_simem_size_0:
called_computation.1_lowered:
.L_overlay_start_0:
0x88: {  	s2 =	sld [smem:$0x3FD9]  }
0x89: {  	s3 =	sld [smem:$0x3FFE];
	_ =	sdelay $0x1  }
0x8a: {  	s1 =	srdreg.scid  }
0x8b: {  	s0 =	sand.u32 $0x1, s1  }
0x8c: {  	s17 =	sshll.u32 s0, $0xA;
	s2 =	sadd.s32 s3, s2  }
0x8d: {  	s2 =	sadd.s32 s2, s17  }
0x8e: {  	[smem:$0x3FC4] =	sst s2  }
0x8f: {  	_ = 	snop  }
0x90: {  	s2 =	sld [smem:$0x3FD0];
	(tm) =	ssettm $0x1  }
0x91: {  	s18 =	sld [smem:$0x3FFB];
	_ =	sdelay $0x3  }
0x92: {  	_ =	strace s18  }
0x93: {  	s3 =	sld [smem:$0x3FFC];
	_ =	sdelay $0x3  }
0x94: {  	_ =	strace s3  }
0x95: {  	s3 =	sld [smem:$0x3FFD];
	_ =	sdelay $0x3  }
0x96: {  	_ =	strace s3  }
0x97: {  	_ =	strace $0x8FFFFFFF  }
0x98: {  	s19 =	sld [smem:$0x3FDB];
	_ =	sdelay $0x1  }
0x99: {  	s4 =	simm.s32 $_scs_section_size  }
0x9a: {  	s5 =	simm.s32 $_size__tile_overlayer_lowered;
	s6 =	simm.s32 $_tile_overlayer_lowered  }
0x9b: {  	s22 =	simm.s32 $0x1BFF;
	s21 =	sshll.u32 s6, $0x1;
	s3 =	sadd.s32 s4, s19  }
0x9c: {  	s7 =	simm.s32 $0x0;
	s20 =	sshll.u32 s5, $0x1;
	s5 =	sadd.s32 s21, s3  }
0x9d: {  	[timem:s7], [sflag:s22] =	dma.local [hbm:s5], s20  }
0x9e: {  	_ =	swait.ge [sflag:s22], s20  }
0x9f: {  	s4 =	ssub.s32 $0x0, s20;
	[sflag:s22] =	ssyncset.done $0x0  }
0xa0: {  	[sflag:s22] =	ssyncadd.s32 s4;
	_ =	sdelay $0x1  }
0xa1: {  	s23 =	simm.s32 $0x1B8B  }
0xa2: {  	_ =	swait.ge [sflag:s23], $0x1  }
0xa3: {  	[sflag:s23] =	ssyncset.done $0x0  }
0xa4: {  	s25 =	simm.s32 $0x1B8E;
	s24 =	sld [smem:$0x3FFE];
	[sflag:s23] =	ssyncadd.s32 $0xFFFFFFFF  }
0xa5: {  	s26 =	simm.s32 $execute0_lowered;
	[smem:$0x3FD2] =	sst s25  }
0xa6: {  	s5 =	sshll.u32 s26, $0x1;
	_ =	strace $0x80000049;
	[dreg:$0x1] =	wrdreg $0xFFFFFFFF  }
0xa7: {  	s28 =	simm.s32 $_size_execute0_lowered;
	s3 =	sadd.s32 s3, s5;
	[dreg:$0x0] =	wrdreg $0x0  }
0xa8: {  	s5 =	sshll.u32 s28, $0x1;
	[dreg:$0x2] =	wrdreg s3  }
0xa9: {  	[dreg:$0x3] =	wrdreg s5  }
0xaa: {  	[dreg:$0x4] =	wrdreg $0xC0  }
0xab: {  	_ =	task [dreg:s7], $0x5FFFF  }
0xac: {  	[dreg:$0x1] =	wrdreg $0xFFFFFFFF  }
0xad: {  	[dreg:$0x0] =	wrdreg $0x60  }
0xae: {  	[dreg:$0x2] =	wrdreg s24  }
0xaf: {  	[dreg:$0x3] =	wrdreg s2  }
0xb0: {  	[dreg:$0x4] =	wrdreg $0x9  }
0xb1: {  	_ =	task.clear_ibuf [dreg:s7], $0x5FFFF;
	_ =	strace $0x90000049  }
0xb2: {  	s29 =	simm.s32 $0x9;
	_ =	strace $0x8000004B  }
0xb3: {  	_ =	swait.ge [sflag:s29], $0x1  }
0xb4: {  	[sflag:s29] =	ssyncadd.s32 $0xFFFFFFFF  }
0xb5: {  	_ =	strace $0x9000004B  }
0xb6: {  	_ =	sfence  }
0xb7: {  	s30 =	sld [smem:$0x0];
	_ =	sdelay $0x2  }
0xb8: {  	s31 =	sshll.u32 s1, $0xD;
	s1 =	sshrl.u32 s1, $0x2  }
0xb9: {  	s3 =	sand.u32 $0x4000, s31;
	s1 =	sadd.s32 s1, s30  }
0xba: {  	s0 =	sor.u32 s3, s0;
	s1 =	sshll.u32 s1, $0x11  }
0xbb: {  	s0 =	sor.u32 s1, s0  }
0xbc: {  	s0 =	sadd.s32 $0x8F2B, s0  }
0xbd: {  	[sflag:s0] =	ssyncadd.remote.s32 $0x1  }
0xbe: {  	_ =	sfence.sel $0xFFFF  }
0xbf: {  	[dreg:$0x0] =	wrdreg $0xFFFFFFFF;
	(pc) =	sbr.abs _section_cstart, $3  }
0xc0: {  	[dreg:$0x1] =	wrdreg $0xFFFFFFFF  }
0xc1: {  	_ =	task.clear_ibuf [dreg:s7], $0x2FFFF;
	_ =	strace $0x9FFFFFFF  }
0xc2: {  	(tm) =	ssettm $0x7FFFFFFF  }
0xc3: {  	_ =	shalt  }
tec
execute0_lowered:
.L_overlay_start_1:
0x0: {  	(tag) =	ssettag $0x1  }
0x1: {  	s0 =	srdreg.scid  }
0x2: {  	s1 =	rddreg [dreg:$0x0];
	s2 =	stileid.u32  }
0x3: {  	s9 =	rddreg [dreg:$0x1];
	s21 =	simm.s32 $0x3;
	s30 =	simm.s32 $0x8080  }
0x4: {  	s0 =	sand.u32 $0x1, s0;
	s3 =	sshll.u32 s2, $0x7;
	s2 =	simm.s32 $0x0  }
0x5: {  	s6 =	sadd.s32 $0x1900, s1;
	s8 =	sadd.s32 $0x1B00, s1;
	s11 =	sadd.s32 $0x1D00, s1  }
0x6: {  	s12 =	sadd.s32 $0x1E00, s1;
	s13 =	sadd.s32 $0x1F00, s1;
	s14 =	sadd.s32 $0x2000, s1  }
0x7: {  	s15 =	sadd.s32 $0x2100, s1;
	s16 =	sadd.s32 $0x2200, s1;
	s17 =	sadd.s32 $0x2300, s1  }
0x8: {  	s19 =	sadd.s32 $0x2500, s1;
	s4 =	sshll.u32 s0, $0x6;
	[smem:$0x7FF] =	sst s2  }
0x9: {  	s0 =	ssub.s32 $0x2, s0;
	s7 =	sor.u32 s4, s3;
	_ =	strace $0x8000004A  }
0xa: {  	s5 =	sshrl.u32 s0, $0x1;
	s3 =	sshrl.u32 s7, $0x3;
	s10 =	sshll.u32 s7, $0x9  }
0xb: {  	s0 =	ssub.s32 s0, s5;
	s23 =	sadd.s32 s3, s1;
	s18 =	sadd.s32 s9, s10  }
0xc: {  	s5 =	sadd.s32 $0x1800, s1;
	s4 =	sadd.s32 $0x1400, s23;
	[dreg:$0xb] =	wrdreg s18  }
0xd: {  	s7 =	sadd.s32 $0x1A00, s1;
	s9 =	sadd.s32 $0x1000, s18;
	[dreg:$0x3] =	wrdreg s4  }
0xe: {  	s3 =	sadd.s32 $0x1600, s1;
	s24 =	sadd.s32 $0x2000, s18;
	[dreg:$0x4] =	wrdreg s9  }
0xf: {  	s10 =	sadd.s32 $0x1C00, s1;
	s25 =	sadd.s32 $0x3000, s18;
	[dreg:$0x5] =	wrdreg s24  }
0x10: {  	s20 =	smax.u32 s0, $0x1;
	s26 =	sadd.s32 $0x4000, s18;
	[dreg:$0x6] =	wrdreg s25  }
0x11: {  	s28 =	sadd.s32 $0x5000, s18;
	s29 =	sadd.s32 $0x6000, s18;
	[dreg:$0x7] =	wrdreg s26  }
0x12: {  	v0 =	vlaneseq.u32;
	s31 =	sadd.s32 $0x7000, s18;
	s18 =	sadd.s32 $0x2400, s1;
	[dreg:$0x8] =	wrdreg s28  }
0x13: {  	v1 =	vshrl.u32 v0, $0x3;
	s23 =	simm.s32 $0x2;
	s4 =	sadd.s32 $0x1700, s1;
	[dreg:$0x9] =	wrdreg s29  }
0x14: {  	vm0 =	vmmov $0xffff;
	v0 =	vand.u32 $0x7, v0;
	v1 =	vmul.u32 $0x8, v1;
	[dreg:$0xa] =	wrdreg s31;
	s9 =	simm.s32 $0x1;
	s1 =	simm.s32 $0x80  }
.LBB2_1:
0x15: {  	s24 =	rddreg [dreg:$0x3]  }
0x16: {  	[tilespmem:s2], [sflag:$0x3] =	stream.linear.gather [hbm4b:s24+s2], $0x40, $0x38;
	[tilespmem:$0x10080] =	vst v63  }
0x17: {  	_ =	swait.ge [sflag:s21], $0x40  }
0x18: {  	[sflag:s21] =	ssyncset.done $0x0  }
0x19: {  	[sflag:s21] =	ssyncadd.s32 $0xFFFFFFC0  }
0x1a: {  	v2 =	vld.msk [tilespmem:$0x0], $0xff;
	_ =	sdelay $0x4  }
0x1b: {  	v3 =	vshll.u32 v2, $0x5  }
0x1c: {  	v2 =	vand.u32 $0x7, v2;
	v3 =	vand.u32 $0xFFFFFF00, v3  }
0x1d: {  	v2 =	vor.u32 v2, v3  }
0x1e: {  	v2 =	vperm.xlane v2, v0;
	_ =	sdelay $0x1  }
0x1f: {  	v2 =	vadd.s32 v1, v2;
	_ =	sdelay $0x4  }
0x20: {  	[tilespmem:s1], [sflag:$0x1] =	stream.indirect_vreg.gather [hbm4b:s3+s2], $0x80, v2, vm0, $0xb8;
	[tilespmem:$0x10080] =	vst v63  }
0x21: {  	s0 =	simm.s32 $0x880  }
0x22: {  	[tilespmem:s0], [sflag:$0x1] =	stream.indirect_vreg.gather [hbm4b:s4+s2], $0x80, v2, vm0, $0xb8;
	[tilespmem:$0x10080] =	vst v63  }
0x23: {  	s24 =	simm.s32 $0x1080  }
0x24: {  	[tilespmem:s24], [sflag:$0x1] =	stream.indirect_vreg.gather [hbm4b:s5+s2], $0x80, v2, vm0, $0xb8;
	[tilespmem:$0x10080] =	vst v63  }
0x25: {  	s25 =	simm.s32 $0x1880  }
0x26: {  	[tilespmem:s25], [sflag:$0x1] =	stream.indirect_vreg.gather [hbm4b:s6+s2], $0x80, v2, vm0, $0xb8;
	[tilespmem:$0x10080] =	vst v63  }
0x27: {  	s26 =	simm.s32 $0x2080  }
0x28: {  	[tilespmem:s26], [sflag:$0x1] =	stream.indirect_vreg.gather [hbm4b:s7+s2], $0x80, v2, vm0, $0xb8;
	[tilespmem:$0x10080] =	vst v63  }
0x29: {  	s28 =	simm.s32 $0x2880  }
0x2a: {  	[tilespmem:s28], [sflag:$0x1] =	stream.indirect_vreg.gather [hbm4b:s8+s2], $0x80, v2, vm0, $0xb8;
	[tilespmem:$0x10080] =	vst v63  }
0x2b: {  	s29 =	simm.s32 $0x3080  }
0x2c: {  	[tilespmem:s29], [sflag:$0x1] =	stream.indirect_vreg.gather [hbm4b:s10+s2], $0x80, v2, vm0, $0xb8;
	[tilespmem:$0x10080] =	vst v63  }
0x2d: {  	s31 =	simm.s32 $0x3880  }
0x2e: {  	[tilespmem:s31], [sflag:$0x1] =	stream.indirect_vreg.gather [hbm4b:s11+s2], $0x80, v2, vm0, $0xb8;
	[tilespmem:$0x10080] =	vst v63  }
0x2f: {  	s22 =	simm.s32 $0x4080  }
0x30: {  	[tilespmem:s22], [sflag:$0x1] =	stream.indirect_vreg.gather [hbm4b:s12+s2], $0x80, v2, vm0, $0xb8;
	[tilespmem:$0x10080] =	vst v63  }
0x31: {  	s25 =	simm.s32 $0x4880  }
0x32: {  	[tilespmem:s25], [sflag:$0x1] =	stream.indirect_vreg.gather [hbm4b:s13+s2], $0x80, v2, vm0, $0xb8;
	[tilespmem:$0x10080] =	vst v63  }
0x33: {  	s26 =	simm.s32 $0x5080  }
0x34: {  	[tilespmem:s26], [sflag:$0x1] =	stream.indirect_vreg.gather [hbm4b:s14+s2], $0x80, v2, vm0, $0xb8;
	[tilespmem:$0x10080] =	vst v63  }
0x35: {  	s28 =	simm.s32 $0x5880  }
0x36: {  	[tilespmem:s28], [sflag:$0x1] =	stream.indirect_vreg.gather [hbm4b:s15+s2], $0x80, v2, vm0, $0xb8;
	[tilespmem:$0x10080] =	vst v63  }
0x37: {  	s29 =	simm.s32 $0x6080  }
0x38: {  	[tilespmem:s29], [sflag:$0x1] =	stream.indirect_vreg.gather [hbm4b:s16+s2], $0x80, v2, vm0, $0xb8;
	[tilespmem:$0x10080] =	vst v63  }
0x39: {  	s31 =	simm.s32 $0x6880  }
0x3a: {  	[tilespmem:s31], [sflag:$0x1] =	stream.indirect_vreg.gather [hbm4b:s17+s2], $0x80, v2, vm0, $0xb8;
	[tilespmem:$0x10080] =	vst v63  }
0x3b: {  	s0 =	simm.s32 $0x7080  }
0x3c: {  	[tilespmem:s0], [sflag:$0x1] =	stream.indirect_vreg.gather [hbm4b:s18+s2], $0x80, v2, vm0, $0xb8;
	[tilespmem:$0x10080] =	vst v63  }
0x3d: {  	s22 =	simm.s32 $0x7880  }
0x3e: {  	[tilespmem:s22], [sflag:$0x1] =	stream.indirect_vreg.gather [hbm4b:s19+s2], $0x80, v2, vm0, $0xb8;
	[tilespmem:$0x10080] =	vst v63  }
0x3f: {  	v2 =	vld.msk [tilespmem:$0x8], $0xff;
	_ =	sdelay $0x4  }
0x40: {  	v3 =	vshll.u32 v2, $0x5  }
0x41: {  	v2 =	vand.u32 $0x7, v2;
	v3 =	vand.u32 $0xFFFFFF00, v3  }
0x42: {  	v2 =	vor.u32 v2, v3  }
0x43: {  	v2 =	vperm.xlane v2, v0;
	_ =	sdelay $0x1  }
0x44: {  	v2 =	vadd.s32 v1, v2;
	_ =	sdelay $0x4  }
0x45: {  	[tilespmem:s30], [sflag:$0x2] =	stream.indirect_vreg.gather [hbm4b:s3+s2], $0x80, v2, vm0, $0xb8;
	[tilespmem:$0x10080] =	vst v63  }
0x46: {  	s25 =	simm.s32 $0x8880  }
0x47: {  	[tilespmem:s25], [sflag:$0x2] =	stream.indirect_vreg.gather [hbm4b:s4+s2], $0x80, v2, vm0, $0xb8;
	[tilespmem:$0x10080] =	vst v63  }
0x48: {  	s26 =	simm.s32 $0x9080  }
0x49: {  	[tilespmem:s26], [sflag:$0x2] =	stream.indirect_vreg.gather [hbm4b:s5+s2], $0x80, v2, vm0, $0xb8;
	[tilespmem:$0x10080] =	vst v63  }
0x4a: {  	s28 =	simm.s32 $0x9880  }
0x4b: {  	[tilespmem:s28], [sflag:$0x2] =	stream.indirect_vreg.gather [hbm4b:s6+s2], $0x80, v2, vm0, $0xb8;
	[tilespmem:$0x10080] =	vst v63  }
0x4c: {  	s29 =	simm.s32 $0xA080  }
0x4d: {  	[tilespmem:s29], [sflag:$0x2] =	stream.indirect_vreg.gather [hbm4b:s7+s2], $0x80, v2, vm0, $0xb8;
	[tilespmem:$0x10080] =	vst v63  }
0x4e: {  	s0 =	simm.s32 $0xA880  }
0x4f: {  	[tilespmem:s0], [sflag:$0x2] =	stream.indirect_vreg.gather [hbm4b:s8+s2], $0x80, v2, vm0, $0xb8;
	[tilespmem:$0x10080] =	vst v63  }
0x50: {  	s22 =	simm.s32 $0xB080  }
0x51: {  	[tilespmem:s22], [sflag:$0x2] =	stream.indirect_vreg.gather [hbm4b:s10+s2], $0x80, v2, vm0, $0xb8;
	[tilespmem:$0x10080] =	vst v63  }
0x52: {  	s25 =	simm.s32 $0xB880  }
0x53: {  	[tilespmem:s25], [sflag:$0x2] =	stream.indirect_vreg.gather [hbm4b:s11+s2], $0x80, v2, vm0, $0xb8;
	[tilespmem:$0x10080] =	vst v63  }
0x54: {  	s26 =	simm.s32 $0xC080  }
0x55: {  	[tilespmem:s26], [sflag:$0x2] =	stream.indirect_vreg.gather [hbm4b:s12+s2], $0x80, v2, vm0, $0xb8;
	[tilespmem:$0x10080] =	vst v63  }
0x56: {  	s28 =	simm.s32 $0xC880  }
0x57: {  	[tilespmem:s28], [sflag:$0x2] =	stream.indirect_vreg.gather [hbm4b:s13+s2], $0x80, v2, vm0, $0xb8;
	[tilespmem:$0x10080] =	vst v63  }
0x58: {  	s29 =	simm.s32 $0xD080  }
0x59: {  	[tilespmem:s29], [sflag:$0x2] =	stream.indirect_vreg.gather [hbm4b:s14+s2], $0x80, v2, vm0, $0xb8;
	[tilespmem:$0x10080] =	vst v63  }
0x5a: {  	s0 =	simm.s32 $0xD880  }
0x5b: {  	[tilespmem:s0], [sflag:$0x2] =	stream.indirect_vreg.gather [hbm4b:s15+s2], $0x80, v2, vm0, $0xb8;
	[tilespmem:$0x10080] =	vst v63  }
0x5c: {  	s22 =	simm.s32 $0xE080  }
0x5d: {  	[tilespmem:s22], [sflag:$0x2] =	stream.indirect_vreg.gather [hbm4b:s16+s2], $0x80, v2, vm0, $0xb8;
	[tilespmem:$0x10080] =	vst v63  }
0x5e: {  	s25 =	simm.s32 $0xE880  }
0x5f: {  	[tilespmem:s25], [sflag:$0x2] =	stream.indirect_vreg.gather [hbm4b:s17+s2], $0x80, v2, vm0, $0xb8;
	[tilespmem:$0x10080] =	vst v63  }
0x60: {  	s26 =	simm.s32 $0xF080  }
0x61: {  	[tilespmem:s26], [sflag:$0x2] =	stream.indirect_vreg.gather [hbm4b:s18+s2], $0x80, v2, vm0, $0xb8;
	[tilespmem:$0x10080] =	vst v63  }
0x62: {  	s28 =	simm.s32 $0xF880  }
0x63: {  	[tilespmem:s28], [sflag:$0x2] =	stream.indirect_vreg.gather [hbm4b:s19+s2], $0x80, v2, vm0, $0xb8;
	[tilespmem:$0x10080] =	vst v63  }
0x64: {  	_ =	swait.ge [sflag:s9], $0x8000  }
0x65: {  	[sflag:s9] =	ssyncset.done $0x0  }
0x66: {  	s29 =	rddreg [dreg:$0xb];
	[sflag:s9] =	ssyncadd.s32 $0xFFFF8000  }
0x67: {  	[hbm4b:s29+s2] =	stream.linear.scatter [tilespmem:s1], [sflag:$0x3], $0x8000, $0x38;
	[tilespmem:$0x10080] =	vst v63  }
0x68: {  	_ =	swait.ge [sflag:s21], $0x8000  }
0x69: {  	[sflag:s21] =	ssyncset.done $0x0  }
0x6a: {  	[sflag:s21] =	ssyncadd.s32 $0xFFFF8000  }
0x6b: {  	v2 =	vld.msk [tilespmem:$0x10], $0xff;
	_ =	sdelay $0x4  }
0x6c: {  	v3 =	vshll.u32 v2, $0x5  }
0x6d: {  	v2 =	vand.u32 $0x7, v2;
	v3 =	vand.u32 $0xFFFFFF00, v3  }
0x6e: {  	v2 =	vor.u32 v2, v3  }
0x6f: {  	v2 =	vperm.xlane v2, v0;
	_ =	sdelay $0x1  }
0x70: {  	v2 =	vadd.s32 v1, v2;
	_ =	sdelay $0x4  }
0x71: {  	[tilespmem:s1], [sflag:$0x1] =	stream.indirect_vreg.gather [hbm4b:s3+s2], $0x80, v2, vm0, $0xb8;
	[tilespmem:$0x10080] =	vst v63  }
0x72: {  	s22 =	simm.s32 $0x880  }
0x73: {  	[tilespmem:s22], [sflag:$0x1] =	stream.indirect_vreg.gather [hbm4b:s4+s2], $0x80, v2, vm0, $0xb8;
	[tilespmem:$0x10080] =	vst v63  }
0x74: {  	s25 =	simm.s32 $0x1080  }
0x75: {  	[tilespmem:s25], [sflag:$0x1] =	stream.indirect_vreg.gather [hbm4b:s5+s2], $0x80, v2, vm0, $0xb8;
	[tilespmem:$0x10080] =	vst v63  }
0x76: {  	s26 =	simm.s32 $0x1880  }
0x77: {  	[tilespmem:s26], [sflag:$0x1] =	stream.indirect_vreg.gather [hbm4b:s6+s2], $0x80, v2, vm0, $0xb8;
	[tilespmem:$0x10080] =	vst v63  }
0x78: {  	s28 =	simm.s32 $0x2080  }
0x79: {  	[tilespmem:s28], [sflag:$0x1] =	stream.indirect_vreg.gather [hbm4b:s7+s2], $0x80, v2, vm0, $0xb8;
	[tilespmem:$0x10080] =	vst v63  }
0x7a: {  	s29 =	simm.s32 $0x2880  }
0x7b: {  	[tilespmem:s29], [sflag:$0x1] =	stream.indirect_vreg.gather [hbm4b:s8+s2], $0x80, v2, vm0, $0xb8;
	[tilespmem:$0x10080] =	vst v63  }
0x7c: {  	s0 =	simm.s32 $0x3080  }
0x7d: {  	[tilespmem:s0], [sflag:$0x1] =	stream.indirect_vreg.gather [hbm4b:s10+s2], $0x80, v2, vm0, $0xb8;
	[tilespmem:$0x10080] =	vst v63  }
0x7e: {  	s24 =	simm.s32 $0x3880  }
0x7f: {  	[tilespmem:s24], [sflag:$0x1] =	stream.indirect_vreg.gather [hbm4b:s11+s2], $0x80, v2, vm0, $0xb8;
	[tilespmem:$0x10080] =	vst v63  }
0x80: {  	s24 =	simm.s32 $0x4080  }
0x81: {  	[tilespmem:s24], [sflag:$0x1] =	stream.indirect_vreg.gather [hbm4b:s12+s2], $0x80, v2, vm0, $0xb8;
	[tilespmem:$0x10080] =	vst v63  }
0x82: {  	s24 =	simm.s32 $0x4880  }
0x83: {  	[tilespmem:s24], [sflag:$0x1] =	stream.indirect_vreg.gather [hbm4b:s13+s2], $0x80, v2, vm0, $0xb8;
	[tilespmem:$0x10080] =	vst v63  }
0x84: {  	s24 =	simm.s32 $0x5080  }
0x85: {  	[tilespmem:s24], [sflag:$0x1] =	stream.indirect_vreg.gather [hbm4b:s14+s2], $0x80, v2, vm0, $0xb8;
	[tilespmem:$0x10080] =	vst v63  }
0x86: {  	s24 =	simm.s32 $0x5880  }
0x87: {  	[tilespmem:s24], [sflag:$0x1] =	stream.indirect_vreg.gather [hbm4b:s15+s2], $0x80, v2, vm0, $0xb8;
	[tilespmem:$0x10080] =	vst v63  }
0x88: {  	s24 =	simm.s32 $0x6080  }
0x89: {  	[tilespmem:s24], [sflag:$0x1] =	stream.indirect_vreg.gather [hbm4b:s16+s2], $0x80, v2, vm0, $0xb8;
	[tilespmem:$0x10080] =	vst v63  }
0x8a: {  	s24 =	simm.s32 $0x6880  }
0x8b: {  	[tilespmem:s24], [sflag:$0x1] =	stream.indirect_vreg.gather [hbm4b:s17+s2], $0x80, v2, vm0, $0xb8;
	[tilespmem:$0x10080] =	vst v63  }
0x8c: {  	s24 =	simm.s32 $0x7080  }
0x8d: {  	[tilespmem:s24], [sflag:$0x1] =	stream.indirect_vreg.gather [hbm4b:s18+s2], $0x80, v2, vm0, $0xb8;
	[tilespmem:$0x10080] =	vst v63  }
0x8e: {  	s31 =	simm.s32 $0x7880  }
0x8f: {  	[tilespmem:s31], [sflag:$0x1] =	stream.indirect_vreg.gather [hbm4b:s19+s2], $0x80, v2, vm0, $0xb8;
	[tilespmem:$0x10080] =	vst v63  }
0x90: {  	_ =	swait.ge [sflag:s23], $0x8000  }
0x91: {  	[sflag:s23] =	ssyncset.done $0x0  }
0x92: {  	s31 =	rddreg [dreg:$0x4];
	[sflag:s23] =	ssyncadd.s32 $0xFFFF8000  }
0x93: {  	[hbm4b:s31+s2] =	stream.linear.scatter [tilespmem:s30], [sflag:$0x3], $0x8000, $0x38;
	[tilespmem:$0x10080] =	vst v63  }
0x94: {  	_ =	swait.ge [sflag:s21], $0x8000  }
0x95: {  	[sflag:s21] =	ssyncset.done $0x0  }
0x96: {  	[sflag:s21] =	ssyncadd.s32 $0xFFFF8000  }
0x97: {  	v2 =	vld.msk [tilespmem:$0x18], $0xff;
	_ =	sdelay $0x4  }
0x98: {  	v3 =	vshll.u32 v2, $0x5  }
0x99: {  	v2 =	vand.u32 $0x7, v2;
	v3 =	vand.u32 $0xFFFFFF00, v3  }
0x9a: {  	v2 =	vor.u32 v2, v3  }
0x9b: {  	v2 =	vperm.xlane v2, v0;
	_ =	sdelay $0x1  }
0x9c: {  	v2 =	vadd.s32 v1, v2;
	_ =	sdelay $0x4  }
0x9d: {  	[tilespmem:s30], [sflag:$0x2] =	stream.indirect_vreg.gather [hbm4b:s3+s2], $0x80, v2, vm0, $0xb8;
	[tilespmem:$0x10080] =	vst v63  }
0x9e: {  	s31 =	simm.s32 $0x8880  }
0x9f: {  	[tilespmem:s31], [sflag:$0x2] =	stream.indirect_vreg.gather [hbm4b:s4+s2], $0x80, v2, vm0, $0xb8;
	[tilespmem:$0x10080] =	vst v63  }
0xa0: {  	s31 =	simm.s32 $0x9080  }
0xa1: {  	[tilespmem:s31], [sflag:$0x2] =	stream.indirect_vreg.gather [hbm4b:s5+s2], $0x80, v2, vm0, $0xb8;
	[tilespmem:$0x10080] =	vst v63  }
0xa2: {  	s24 =	simm.s32 $0x9880  }
0xa3: {  	[tilespmem:s24], [sflag:$0x2] =	stream.indirect_vreg.gather [hbm4b:s6+s2], $0x80, v2, vm0, $0xb8;
	[tilespmem:$0x10080] =	vst v63  }
0xa4: {  	s24 =	simm.s32 $0xA080  }
0xa5: {  	[tilespmem:s24], [sflag:$0x2] =	stream.indirect_vreg.gather [hbm4b:s7+s2], $0x80, v2, vm0, $0xb8;
	[tilespmem:$0x10080] =	vst v63  }
0xa6: {  	s24 =	simm.s32 $0xA880  }
0xa7: {  	[tilespmem:s24], [sflag:$0x2] =	stream.indirect_vreg.gather [hbm4b:s8+s2], $0x80, v2, vm0, $0xb8;
	[tilespmem:$0x10080] =	vst v63  }
0xa8: {  	s24 =	simm.s32 $0xB080  }
0xa9: {  	[tilespmem:s24], [sflag:$0x2] =	stream.indirect_vreg.gather [hbm4b:s10+s2], $0x80, v2, vm0, $0xb8;
	[tilespmem:$0x10080] =	vst v63  }
0xaa: {  	s24 =	simm.s32 $0xB880  }
0xab: {  	[tilespmem:s24], [sflag:$0x2] =	stream.indirect_vreg.gather [hbm4b:s11+s2], $0x80, v2, vm0, $0xb8;
	[tilespmem:$0x10080] =	vst v63  }
0xac: {  	s24 =	simm.s32 $0xC080  }
0xad: {  	[tilespmem:s24], [sflag:$0x2] =	stream.indirect_vreg.gather [hbm4b:s12+s2], $0x80, v2, vm0, $0xb8;
	[tilespmem:$0x10080] =	vst v63  }
0xae: {  	s24 =	simm.s32 $0xC880  }
0xaf: {  	[tilespmem:s24], [sflag:$0x2] =	stream.indirect_vreg.gather [hbm4b:s13+s2], $0x80, v2, vm0, $0xb8;
	[tilespmem:$0x10080] =	vst v63  }
0xb0: {  	s24 =	simm.s32 $0xD080  }
0xb1: {  	[tilespmem:s24], [sflag:$0x2] =	stream.indirect_vreg.gather [hbm4b:s14+s2], $0x80, v2, vm0, $0xb8;
	[tilespmem:$0x10080] =	vst v63  }
0xb2: {  	s24 =	simm.s32 $0xD880  }
0xb3: {  	[tilespmem:s24], [sflag:$0x2] =	stream.indirect_vreg.gather [hbm4b:s15+s2], $0x80, v2, vm0, $0xb8;
	[tilespmem:$0x10080] =	vst v63  }
0xb4: {  	s24 =	simm.s32 $0xE080  }
0xb5: {  	[tilespmem:s24], [sflag:$0x2] =	stream.indirect_vreg.gather [hbm4b:s16+s2], $0x80, v2, vm0, $0xb8;
	[tilespmem:$0x10080] =	vst v63  }
0xb6: {  	s24 =	simm.s32 $0xE880  }
0xb7: {  	[tilespmem:s24], [sflag:$0x2] =	stream.indirect_vreg.gather [hbm4b:s17+s2], $0x80, v2, vm0, $0xb8;
	[tilespmem:$0x10080] =	vst v63  }
0xb8: {  	s24 =	simm.s32 $0xF080  }
0xb9: {  	[tilespmem:s24], [sflag:$0x2] =	stream.indirect_vreg.gather [hbm4b:s18+s2], $0x80, v2, vm0, $0xb8;
	[tilespmem:$0x10080] =	vst v63  }
0xba: {  	s24 =	simm.s32 $0xF880  }
0xbb: {  	[tilespmem:s24], [sflag:$0x2] =	stream.indirect_vreg.gather [hbm4b:s19+s2], $0x80, v2, vm0, $0xb8;
	[tilespmem:$0x10080] =	vst v63  }
0xbc: {  	_ =	swait.ge [sflag:s9], $0x8000  }
0xbd: {  	[sflag:s9] =	ssyncset.done $0x0  }
0xbe: {  	s24 =	rddreg [dreg:$0x5];
	[sflag:s9] =	ssyncadd.s32 $0xFFFF8000  }
0xbf: {  	[hbm4b:s24+s2] =	stream.linear.scatter [tilespmem:s1], [sflag:$0x3], $0x8000, $0x38;
	[tilespmem:$0x10080] =	vst v63  }
0xc0: {  	_ =	swait.ge [sflag:s21], $0x8000  }
0xc1: {  	[sflag:s21] =	ssyncset.done $0x0  }
0xc2: {  	[sflag:s21] =	ssyncadd.s32 $0xFFFF8000  }
0xc3: {  	v2 =	vld.msk [tilespmem:$0x20], $0xff;
	_ =	sdelay $0x4  }
0xc4: {  	v3 =	vshll.u32 v2, $0x5  }
0xc5: {  	v2 =	vand.u32 $0x7, v2;
	v3 =	vand.u32 $0xFFFFFF00, v3  }
0xc6: {  	v2 =	vor.u32 v2, v3  }
0xc7: {  	v2 =	vperm.xlane v2, v0;
	_ =	sdelay $0x1  }
0xc8: {  	v2 =	vadd.s32 v1, v2;
	_ =	sdelay $0x4  }
0xc9: {  	[tilespmem:s1], [sflag:$0x1] =	stream.indirect_vreg.gather [hbm4b:s3+s2], $0x80, v2, vm0, $0xb8;
	[tilespmem:$0x10080] =	vst v63  }
0xca: {  	_ = 	snop  }
0xcb: {  	[tilespmem:s22], [sflag:$0x1] =	stream.indirect_vreg.gather [hbm4b:s4+s2], $0x80, v2, vm0, $0xb8;
	[tilespmem:$0x10080] =	vst v63  }
0xcc: {  	_ = 	snop  }
0xcd: {  	[tilespmem:s25], [sflag:$0x1] =	stream.indirect_vreg.gather [hbm4b:s5+s2], $0x80, v2, vm0, $0xb8;
	[tilespmem:$0x10080] =	vst v63  }
0xce: {  	_ = 	snop  }
0xcf: {  	[tilespmem:s26], [sflag:$0x1] =	stream.indirect_vreg.gather [hbm4b:s6+s2], $0x80, v2, vm0, $0xb8;
	[tilespmem:$0x10080] =	vst v63  }
0xd0: {  	_ = 	snop  }
0xd1: {  	[tilespmem:s28], [sflag:$0x1] =	stream.indirect_vreg.gather [hbm4b:s7+s2], $0x80, v2, vm0, $0xb8;
	[tilespmem:$0x10080] =	vst v63  }
0xd2: {  	_ = 	snop  }
0xd3: {  	[tilespmem:s29], [sflag:$0x1] =	stream.indirect_vreg.gather [hbm4b:s8+s2], $0x80, v2, vm0, $0xb8;
	[tilespmem:$0x10080] =	vst v63  }
0xd4: {  	_ = 	snop  }
0xd5: {  	[tilespmem:s0], [sflag:$0x1] =	stream.indirect_vreg.gather [hbm4b:s10+s2], $0x80, v2, vm0, $0xb8;
	[tilespmem:$0x10080] =	vst v63  }
0xd6: {  	s24 =	simm.s32 $0x3880  }
0xd7: {  	[tilespmem:s24], [sflag:$0x1] =	stream.indirect_vreg.gather [hbm4b:s11+s2], $0x80, v2, vm0, $0xb8;
	[tilespmem:$0x10080] =	vst v63  }
0xd8: {  	s24 =	simm.s32 $0x4080  }
0xd9: {  	[tilespmem:s24], [sflag:$0x1] =	stream.indirect_vreg.gather [hbm4b:s12+s2], $0x80, v2, vm0, $0xb8;
	[tilespmem:$0x10080] =	vst v63  }
0xda: {  	s24 =	simm.s32 $0x4880  }
0xdb: {  	[tilespmem:s24], [sflag:$0x1] =	stream.indirect_vreg.gather [hbm4b:s13+s2], $0x80, v2, vm0, $0xb8;
	[tilespmem:$0x10080] =	vst v63  }
0xdc: {  	s24 =	simm.s32 $0x5080  }
0xdd: {  	[tilespmem:s24], [sflag:$0x1] =	stream.indirect_vreg.gather [hbm4b:s14+s2], $0x80, v2, vm0, $0xb8;
	[tilespmem:$0x10080] =	vst v63  }
0xde: {  	s24 =	simm.s32 $0x5880  }
0xdf: {  	[tilespmem:s24], [sflag:$0x1] =	stream.indirect_vreg.gather [hbm4b:s15+s2], $0x80, v2, vm0, $0xb8;
	[tilespmem:$0x10080] =	vst v63  }
0xe0: {  	s24 =	simm.s32 $0x6080  }
0xe1: {  	[tilespmem:s24], [sflag:$0x1] =	stream.indirect_vreg.gather [hbm4b:s16+s2], $0x80, v2, vm0, $0xb8;
	[tilespmem:$0x10080] =	vst v63  }
0xe2: {  	s24 =	simm.s32 $0x6880  }
0xe3: {  	[tilespmem:s24], [sflag:$0x1] =	stream.indirect_vreg.gather [hbm4b:s17+s2], $0x80, v2, vm0, $0xb8;
	[tilespmem:$0x10080] =	vst v63  }
0xe4: {  	s24 =	simm.s32 $0x7080  }
0xe5: {  	[tilespmem:s24], [sflag:$0x1] =	stream.indirect_vreg.gather [hbm4b:s18+s2], $0x80, v2, vm0, $0xb8;
	[tilespmem:$0x10080] =	vst v63  }
0xe6: {  	s24 =	simm.s32 $0x7880  }
0xe7: {  	[tilespmem:s24], [sflag:$0x1] =	stream.indirect_vreg.gather [hbm4b:s19+s2], $0x80, v2, vm0, $0xb8;
	[tilespmem:$0x10080] =	vst v63  }
0xe8: {  	_ =	swait.ge [sflag:s23], $0x8000  }
0xe9: {  	[sflag:s23] =	ssyncset.done $0x0  }
0xea: {  	s24 =	rddreg [dreg:$0x6];
	[sflag:s23] =	ssyncadd.s32 $0xFFFF8000  }
0xeb: {  	[hbm4b:s24+s2] =	stream.linear.scatter [tilespmem:s30], [sflag:$0x3], $0x8000, $0x38;
	[tilespmem:$0x10080] =	vst v63  }
0xec: {  	_ =	swait.ge [sflag:s21], $0x8000  }
0xed: {  	[sflag:s21] =	ssyncset.done $0x0  }
0xee: {  	[sflag:s21] =	ssyncadd.s32 $0xFFFF8000  }
0xef: {  	v2 =	vld.msk [tilespmem:$0x28], $0xff;
	_ =	sdelay $0x4  }
0xf0: {  	v3 =	vshll.u32 v2, $0x5  }
0xf1: {  	v2 =	vand.u32 $0x7, v2;
	v3 =	vand.u32 $0xFFFFFF00, v3  }
0xf2: {  	v2 =	vor.u32 v2, v3  }
0xf3: {  	v2 =	vperm.xlane v2, v0;
	_ =	sdelay $0x1  }
0xf4: {  	v2 =	vadd.s32 v1, v2;
	_ =	sdelay $0x4  }
0xf5: {  	[tilespmem:s30], [sflag:$0x2] =	stream.indirect_vreg.gather [hbm4b:s3+s2], $0x80, v2, vm0, $0xb8;
	[tilespmem:$0x10080] =	vst v63  }
0xf6: {  	s24 =	simm.s32 $0x8880  }
0xf7: {  	[tilespmem:s24], [sflag:$0x2] =	stream.indirect_vreg.gather [hbm4b:s4+s2], $0x80, v2, vm0, $0xb8;
	[tilespmem:$0x10080] =	vst v63  }
0xf8: {  	s31 =	simm.s32 $0x9080  }
0xf9: {  	[tilespmem:s31], [sflag:$0x2] =	stream.indirect_vreg.gather [hbm4b:s5+s2], $0x80, v2, vm0, $0xb8;
	[tilespmem:$0x10080] =	vst v63  }
0xfa: {  	s24 =	simm.s32 $0x9880  }
0xfb: {  	[tilespmem:s24], [sflag:$0x2] =	stream.indirect_vreg.gather [hbm4b:s6+s2], $0x80, v2, vm0, $0xb8;
	[tilespmem:$0x10080] =	vst v63  }
0xfc: {  	s24 =	simm.s32 $0xA080  }
0xfd: {  	[tilespmem:s24], [sflag:$0x2] =	stream.indirect_vreg.gather [hbm4b:s7+s2], $0x80, v2, vm0, $0xb8;
	[tilespmem:$0x10080] =	vst v63  }
0xfe: {  	s24 =	simm.s32 $0xA880  }
0xff: {  	[tilespmem:s24], [sflag:$0x2] =	stream.indirect_vreg.gather [hbm4b:s8+s2], $0x80, v2, vm0, $0xb8;
	[tilespmem:$0x10080] =	vst v63  }
0x100: {  	s24 =	simm.s32 $0xB080  }
0x101: {  	[tilespmem:s24], [sflag:$0x2] =	stream.indirect_vreg.gather [hbm4b:s10+s2], $0x80, v2, vm0, $0xb8;
	[tilespmem:$0x10080] =	vst v63  }
0x102: {  	s24 =	simm.s32 $0xB880  }
0x103: {  	[tilespmem:s24], [sflag:$0x2] =	stream.indirect_vreg.gather [hbm4b:s11+s2], $0x80, v2, vm0, $0xb8;
	[tilespmem:$0x10080] =	vst v63  }
0x104: {  	s24 =	simm.s32 $0xC080  }
0x105: {  	[tilespmem:s24], [sflag:$0x2] =	stream.indirect_vreg.gather [hbm4b:s12+s2], $0x80, v2, vm0, $0xb8;
	[tilespmem:$0x10080] =	vst v63  }
0x106: {  	s24 =	simm.s32 $0xC880  }
0x107: {  	[tilespmem:s24], [sflag:$0x2] =	stream.indirect_vreg.gather [hbm4b:s13+s2], $0x80, v2, vm0, $0xb8;
	[tilespmem:$0x10080] =	vst v63  }
0x108: {  	s24 =	simm.s32 $0xD080  }
0x109: {  	[tilespmem:s24], [sflag:$0x2] =	stream.indirect_vreg.gather [hbm4b:s14+s2], $0x80, v2, vm0, $0xb8;
	[tilespmem:$0x10080] =	vst v63  }
0x10a: {  	s24 =	simm.s32 $0xD880  }
0x10b: {  	[tilespmem:s24], [sflag:$0x2] =	stream.indirect_vreg.gather [hbm4b:s15+s2], $0x80, v2, vm0, $0xb8;
	[tilespmem:$0x10080] =	vst v63  }
0x10c: {  	s24 =	simm.s32 $0xE080  }
0x10d: {  	[tilespmem:s24], [sflag:$0x2] =	stream.indirect_vreg.gather [hbm4b:s16+s2], $0x80, v2, vm0, $0xb8;
	[tilespmem:$0x10080] =	vst v63  }
0x10e: {  	s24 =	simm.s32 $0xE880  }
0x10f: {  	[tilespmem:s24], [sflag:$0x2] =	stream.indirect_vreg.gather [hbm4b:s17+s2], $0x80, v2, vm0, $0xb8;
	[tilespmem:$0x10080] =	vst v63  }
0x110: {  	s24 =	simm.s32 $0xF080  }
0x111: {  	[tilespmem:s24], [sflag:$0x2] =	stream.indirect_vreg.gather [hbm4b:s18+s2], $0x80, v2, vm0, $0xb8;
	[tilespmem:$0x10080] =	vst v63  }
0x112: {  	s24 =	simm.s32 $0xF880  }
0x113: {  	[tilespmem:s24], [sflag:$0x2] =	stream.indirect_vreg.gather [hbm4b:s19+s2], $0x80, v2, vm0, $0xb8;
	[tilespmem:$0x10080] =	vst v63  }
0x114: {  	_ =	swait.ge [sflag:s9], $0x8000  }
0x115: {  	[sflag:s9] =	ssyncset.done $0x0  }
0x116: {  	s24 =	rddreg [dreg:$0x7];
	[sflag:s9] =	ssyncadd.s32 $0xFFFF8000  }
0x117: {  	[hbm4b:s24+s2] =	stream.linear.scatter [tilespmem:s1], [sflag:$0x3], $0x8000, $0x38;
	[tilespmem:$0x10080] =	vst v63  }
0x118: {  	_ =	swait.ge [sflag:s21], $0x8000  }
0x119: {  	[sflag:s21] =	ssyncset.done $0x0  }
0x11a: {  	[sflag:s21] =	ssyncadd.s32 $0xFFFF8000  }
0x11b: {  	v2 =	vld.msk [tilespmem:$0x30], $0xff;
	_ =	sdelay $0x4  }
0x11c: {  	v3 =	vshll.u32 v2, $0x5  }
0x11d: {  	v2 =	vand.u32 $0x7, v2;
	v3 =	vand.u32 $0xFFFFFF00, v3  }
0x11e: {  	v2 =	vor.u32 v2, v3  }
0x11f: {  	v2 =	vperm.xlane v2, v0;
	_ =	sdelay $0x1  }
0x120: {  	v2 =	vadd.s32 v1, v2;
	_ =	sdelay $0x4  }
0x121: {  	[tilespmem:s1], [sflag:$0x1] =	stream.indirect_vreg.gather [hbm4b:s3+s2], $0x80, v2, vm0, $0xb8;
	[tilespmem:$0x10080] =	vst v63  }
0x122: {  	s22 =	simm.s32 $0x880  }
0x123: {  	[tilespmem:s22], [sflag:$0x1] =	stream.indirect_vreg.gather [hbm4b:s4+s2], $0x80, v2, vm0, $0xb8;
	[tilespmem:$0x10080] =	vst v63  }
0x124: {  	s25 =	simm.s32 $0x1080  }
0x125: {  	[tilespmem:s25], [sflag:$0x1] =	stream.indirect_vreg.gather [hbm4b:s5+s2], $0x80, v2, vm0, $0xb8;
	[tilespmem:$0x10080] =	vst v63  }
0x126: {  	s26 =	simm.s32 $0x1880  }
0x127: {  	[tilespmem:s26], [sflag:$0x1] =	stream.indirect_vreg.gather [hbm4b:s6+s2], $0x80, v2, vm0, $0xb8;
	[tilespmem:$0x10080] =	vst v63  }
0x128: {  	s28 =	simm.s32 $0x2080  }
0x129: {  	[tilespmem:s28], [sflag:$0x1] =	stream.indirect_vreg.gather [hbm4b:s7+s2], $0x80, v2, vm0, $0xb8;
	[tilespmem:$0x10080] =	vst v63  }
0x12a: {  	s29 =	simm.s32 $0x2880  }
0x12b: {  	[tilespmem:s29], [sflag:$0x1] =	stream.indirect_vreg.gather [hbm4b:s8+s2], $0x80, v2, vm0, $0xb8;
	[tilespmem:$0x10080] =	vst v63  }
0x12c: {  	s0 =	simm.s32 $0x3080  }
0x12d: {  	[tilespmem:s0], [sflag:$0x1] =	stream.indirect_vreg.gather [hbm4b:s10+s2], $0x80, v2, vm0, $0xb8;
	[tilespmem:$0x10080] =	vst v63  }
0x12e: {  	s24 =	simm.s32 $0x3880  }
0x12f: {  	[tilespmem:s24], [sflag:$0x1] =	stream.indirect_vreg.gather [hbm4b:s11+s2], $0x80, v2, vm0, $0xb8;
	[tilespmem:$0x10080] =	vst v63  }
0x130: {  	s25 =	simm.s32 $0x4080  }
0x131: {  	[tilespmem:s25], [sflag:$0x1] =	stream.indirect_vreg.gather [hbm4b:s12+s2], $0x80, v2, vm0, $0xb8;
	[tilespmem:$0x10080] =	vst v63  }
0x132: {  	s26 =	simm.s32 $0x4880  }
0x133: {  	[tilespmem:s26], [sflag:$0x1] =	stream.indirect_vreg.gather [hbm4b:s13+s2], $0x80, v2, vm0, $0xb8;
	[tilespmem:$0x10080] =	vst v63  }
0x134: {  	s28 =	simm.s32 $0x5080  }
0x135: {  	[tilespmem:s28], [sflag:$0x1] =	stream.indirect_vreg.gather [hbm4b:s14+s2], $0x80, v2, vm0, $0xb8;
	[tilespmem:$0x10080] =	vst v63  }
0x136: {  	s29 =	simm.s32 $0x5880  }
0x137: {  	[tilespmem:s29], [sflag:$0x1] =	stream.indirect_vreg.gather [hbm4b:s15+s2], $0x80, v2, vm0, $0xb8;
	[tilespmem:$0x10080] =	vst v63  }
0x138: {  	s22 =	simm.s32 $0x6080  }
0x139: {  	[tilespmem:s22], [sflag:$0x1] =	stream.indirect_vreg.gather [hbm4b:s16+s2], $0x80, v2, vm0, $0xb8;
	[tilespmem:$0x10080] =	vst v63  }
0x13a: {  	s24 =	simm.s32 $0x6880  }
0x13b: {  	[tilespmem:s24], [sflag:$0x1] =	stream.indirect_vreg.gather [hbm4b:s17+s2], $0x80, v2, vm0, $0xb8;
	[tilespmem:$0x10080] =	vst v63  }
0x13c: {  	s25 =	simm.s32 $0x7080  }
0x13d: {  	[tilespmem:s25], [sflag:$0x1] =	stream.indirect_vreg.gather [hbm4b:s18+s2], $0x80, v2, vm0, $0xb8;
	[tilespmem:$0x10080] =	vst v63  }
0x13e: {  	s26 =	simm.s32 $0x7880  }
0x13f: {  	[tilespmem:s26], [sflag:$0x1] =	stream.indirect_vreg.gather [hbm4b:s19+s2], $0x80, v2, vm0, $0xb8;
	[tilespmem:$0x10080] =	vst v63  }
0x140: {  	_ =	swait.ge [sflag:s23], $0x8000  }
0x141: {  	[sflag:s23] =	ssyncset.done $0x0  }
0x142: {  	s28 =	rddreg [dreg:$0x8];
	[sflag:s23] =	ssyncadd.s32 $0xFFFF8000  }
0x143: {  	[hbm4b:s28+s2] =	stream.linear.scatter [tilespmem:s30], [sflag:$0x3], $0x8000, $0x38;
	[tilespmem:$0x10080] =	vst v63  }
0x144: {  	_ =	swait.ge [sflag:s21], $0x8000  }
0x145: {  	[sflag:s21] =	ssyncset.done $0x0  }
0x146: {  	[sflag:s21] =	ssyncadd.s32 $0xFFFF8000  }
0x147: {  	v2 =	vld.msk [tilespmem:$0x38], $0xff;
	_ =	sdelay $0x4  }
0x148: {  	v3 =	vshll.u32 v2, $0x5  }
0x149: {  	v2 =	vand.u32 $0x7, v2;
	v3 =	vand.u32 $0xFFFFFF00, v3  }
0x14a: {  	v2 =	vor.u32 v2, v3  }
0x14b: {  	v2 =	vperm.xlane v2, v0;
	_ =	sdelay $0x1  }
0x14c: {  	v2 =	vadd.s32 v1, v2;
	_ =	sdelay $0x4  }
0x14d: {  	[tilespmem:s30], [sflag:$0x2] =	stream.indirect_vreg.gather [hbm4b:s3+s2], $0x80, v2, vm0, $0xb8;
	[tilespmem:$0x10080] =	vst v63  }
0x14e: {  	s29 =	simm.s32 $0x8880  }
0x14f: {  	[tilespmem:s29], [sflag:$0x2] =	stream.indirect_vreg.gather [hbm4b:s4+s2], $0x80, v2, vm0, $0xb8;
	[tilespmem:$0x10080] =	vst v63  }
0x150: {  	s31 =	simm.s32 $0x9080  }
0x151: {  	[tilespmem:s31], [sflag:$0x2] =	stream.indirect_vreg.gather [hbm4b:s5+s2], $0x80, v2, vm0, $0xb8;
	[tilespmem:$0x10080] =	vst v63  }
0x152: {  	s31 =	simm.s32 $0x9880  }
0x153: {  	[tilespmem:s31], [sflag:$0x2] =	stream.indirect_vreg.gather [hbm4b:s6+s2], $0x80, v2, vm0, $0xb8;
	[tilespmem:$0x10080] =	vst v63  }
0x154: {  	s22 =	simm.s32 $0xA080  }
0x155: {  	[tilespmem:s22], [sflag:$0x2] =	stream.indirect_vreg.gather [hbm4b:s7+s2], $0x80, v2, vm0, $0xb8;
	[tilespmem:$0x10080] =	vst v63  }
0x156: {  	s24 =	simm.s32 $0xA880  }
0x157: {  	[tilespmem:s24], [sflag:$0x2] =	stream.indirect_vreg.gather [hbm4b:s8+s2], $0x80, v2, vm0, $0xb8;
	[tilespmem:$0x10080] =	vst v63  }
0x158: {  	s25 =	simm.s32 $0xB080  }
0x159: {  	[tilespmem:s25], [sflag:$0x2] =	stream.indirect_vreg.gather [hbm4b:s10+s2], $0x80, v2, vm0, $0xb8;
	[tilespmem:$0x10080] =	vst v63  }
0x15a: {  	s26 =	simm.s32 $0xB880  }
0x15b: {  	[tilespmem:s26], [sflag:$0x2] =	stream.indirect_vreg.gather [hbm4b:s11+s2], $0x80, v2, vm0, $0xb8;
	[tilespmem:$0x10080] =	vst v63  }
0x15c: {  	s28 =	simm.s32 $0xC080  }
0x15d: {  	[tilespmem:s28], [sflag:$0x2] =	stream.indirect_vreg.gather [hbm4b:s12+s2], $0x80, v2, vm0, $0xb8;
	[tilespmem:$0x10080] =	vst v63  }
0x15e: {  	s29 =	simm.s32 $0xC880  }
0x15f: {  	[tilespmem:s29], [sflag:$0x2] =	stream.indirect_vreg.gather [hbm4b:s13+s2], $0x80, v2, vm0, $0xb8;
	[tilespmem:$0x10080] =	vst v63  }
0x160: {  	s31 =	simm.s32 $0xD080  }
0x161: {  	[tilespmem:s31], [sflag:$0x2] =	stream.indirect_vreg.gather [hbm4b:s14+s2], $0x80, v2, vm0, $0xb8;
	[tilespmem:$0x10080] =	vst v63  }
0x162: {  	s22 =	simm.s32 $0xD880  }
0x163: {  	[tilespmem:s22], [sflag:$0x2] =	stream.indirect_vreg.gather [hbm4b:s15+s2], $0x80, v2, vm0, $0xb8;
	[tilespmem:$0x10080] =	vst v63  }
0x164: {  	s24 =	simm.s32 $0xE080  }
0x165: {  	[tilespmem:s24], [sflag:$0x2] =	stream.indirect_vreg.gather [hbm4b:s16+s2], $0x80, v2, vm0, $0xb8;
	[tilespmem:$0x10080] =	vst v63  }
0x166: {  	s25 =	simm.s32 $0xE880  }
0x167: {  	[tilespmem:s25], [sflag:$0x2] =	stream.indirect_vreg.gather [hbm4b:s17+s2], $0x80, v2, vm0, $0xb8;
	[tilespmem:$0x10080] =	vst v63  }
0x168: {  	s26 =	simm.s32 $0xF080  }
0x169: {  	[tilespmem:s26], [sflag:$0x2] =	stream.indirect_vreg.gather [hbm4b:s18+s2], $0x80, v2, vm0, $0xb8;
	[tilespmem:$0x10080] =	vst v63  }
0x16a: {  	s28 =	simm.s32 $0xF880  }
0x16b: {  	[tilespmem:s28], [sflag:$0x2] =	stream.indirect_vreg.gather [hbm4b:s19+s2], $0x80, v2, vm0, $0xb8;
	[tilespmem:$0x10080] =	vst v63  }
0x16c: {  	_ =	swait.ge [sflag:s9], $0x8000  }
0x16d: {  	[sflag:s9] =	ssyncset.done $0x0  }
0x16e: {  	s29 =	rddreg [dreg:$0x9];
	[sflag:s9] =	ssyncadd.s32 $0xFFFF8000  }
0x16f: {  	[hbm4b:s29+s2] =	stream.linear.scatter [tilespmem:s1], [sflag:$0x3], $0x8000, $0x38;
	[tilespmem:$0x10080] =	vst v63  }
0x170: {  	_ =	swait.ge [sflag:s21], $0x8000  }
0x171: {  	[sflag:s21] =	ssyncset.done $0x0  }
0x172: {  	[sflag:s21] =	ssyncadd.s32 $0xFFFF8000  }
0x173: {  	_ =	swait.ge [sflag:s23], $0x8000  }
0x174: {  	p0 =	sne.s32 s20, $0x1;
	[sflag:s23] =	ssyncset.done $0x0  }
.Ltmp0:
0x175: {  	s31 =	rddreg [dreg:$0xa];
	[sflag:s23] =	ssyncadd.s32 $0xFFFF8000;
	(pc) =	sbr.rel @p0 .LBB2_1-.Ltmp0, $4  }
0x176: {  	[hbm4b:s31+s2] =	stream.linear.scatter [tilespmem:s30], [sflag:$0x3], $0x8000, $0x38;
	[tilespmem:$0x10080] =	vst v63  }
0x177: {  	_ =	swait.ge [sflag:s21], $0x8000  }
0x178: {  	[sflag:s21] =	ssyncset.done $0x0  }
0x179: {  	s20 =	sadd.s32 $0xFFFFFFFF, s20;
	[sflag:s21] =	ssyncadd.s32 $0xFFFF8000  }
0x17a: {  	_ =	sfence.sel $0x180000  }
0x17b: {  	[bflag:$0x0] =	sbarrier.arrive $0xFFFF  }
0x17c: {  	_ =	strace $0x9000004A  }
0x17d: {  	s0 =	stileid.u32;
	[bflag:$0x2] =	sbarrier.arrive $0xFFFF  }
0x17e: {  	p0 =	sne.s32 s0, $0x0;
	s0 =	rddreg [dreg:$0x2]  }
0x17f: {  	s0 =	sadd.s32 @!p0 $0x100000, s0  }
0x180: {  	[sflag:s0] =	ssyncadd.tile.s32 @!p0 $0x1;
	_ =	shalt  }
.Lfunc_end2:
_tile_overlayer_lowered:
.L_overlay_start_2:
0x181: {  	(tag) =	ssettag $0x2  }
0x182: {  	s0 =	rddreg [dreg:$0x0];
	s2 =	stileid.u32  }
0x183: {  	s1 =	rddreg [dreg:$0x1];
	p0 =	sne.s32 s2, $0x0  }
0x184: {  	s3 =	rddreg [dreg:$0x2];
	[bflag:$0x3] =	sbarrier.arrive $0xFFFF;
	s2 =	simm.s32 @!p0 $0x1C03  }
0x185: {  	[timem:s3], [sflag:s2] =	dma.local @!p0 [hbm:s0], s1  }
0x186: {  	s0 =	simm.s32 @!p0 $0x3  }
0x187: {  	_ =	swait.ge @!p0 [sflag:s0], s1  }
0x188: {  	s1 =	ssub.s32 @!p0 $0x0, s1;
	[sflag:s0] =	ssyncset.done @!p0 $0x0  }
0x189: {  	[sflag:s0] =	ssyncadd.s32 @!p0 s1  }
0x18a: {  	[bflag:$0x3] =	sbarrier.arrive $0xFFFF  }
0x18b: {  	_ =	shalt  }

</sc_bundles>
